<compile_context>
chip_gen: v7x
topology: tpu7x:2x2x1
jax: 0.10.2.dev20260603
libtpu: 0.0.44.dev20260713+nightly
codegen_flags: <defaults>
</compile_context>

<pallas_src>
import functools

import jax
import jax.numpy as jnp
from jax import lax
from jax.experimental import pallas as pl
from jax.experimental.pallas import tpu as pltpu
from jax.experimental.pallas import tpu_sc as plsc

N_NODES = 10000
N_PAD = 10240
N_EDGES = 320000
NC, NS = 2, 16
NW = NC * NS
EPW = N_EDGES // NW
K = 80
NCHUNK = EPW // K
RPT = N_PAD // NS

_MESH = plsc.VectorSubcoreMesh(
    core_axis_name="c", subcore_axis_name="s", num_cores=NC, num_subcores=NS)


def _make_deg_kernel():
  D = 16

  @functools.partial(
      pl.kernel,
      out_type=jax.ShapeDtypeStruct((NC, N_PAD, D), jnp.float32),
      mesh=_MESH,
      compiler_params=pltpu.CompilerParams(use_tc_tiling_on_sc=False),
      scratch_types=[
          pltpu.VMEM((K,), jnp.int32),
          pltpu.VMEM((K, D), jnp.float32),
          pltpu.VMEM_SHARED((N_PAD, D), jnp.float32),
      ],
  )
  def deg_kernel(dst_hbm, zeros_hbm, out_hbm, dst_v, rows_v, acc_sh):
    c = lax.axis_index("c")
    s = lax.axis_index("s")
    wid = c * NS + s
    r0 = s * RPT
    pltpu.sync_copy(zeros_hbm.at[pl.ds(r0, RPT)], acc_sh.at[pl.ds(r0, RPT)])
    ones = jnp.ones((16,), jnp.float32)
    for r in range(K):
      rows_v[r, :] = ones
    plsc.subcore_barrier()
    base = wid * EPW

    def body(j, carry):
      off = base + j * K
      pltpu.sync_copy(dst_hbm.at[pl.ds(off, K)], dst_v)
      pltpu.sync_copy(rows_v, acc_sh.at[dst_v], add=True)
      return carry

    lax.fori_loop(0, NCHUNK, body, 0)
    plsc.subcore_barrier()
    pltpu.sync_copy(acc_sh.at[pl.ds(r0, RPT)], out_hbm.at[c, pl.ds(r0, RPT)])

  return deg_kernel


def _make_edge_pass(D):
  @functools.partial(
      pl.kernel,
      out_type=jax.ShapeDtypeStruct((NC, N_PAD, D), jnp.float32),
      mesh=_MESH,
      compiler_params=pltpu.CompilerParams(use_tc_tiling_on_sc=False),
      scratch_types=[
          pltpu.VMEM((K,), jnp.int32),
          pltpu.VMEM((K,), jnp.int32),
          pltpu.VMEM((K, D), jnp.float32),
          pltpu.VMEM_SHARED((N_PAD, D), jnp.float32),
          pltpu.SemaphoreType.DMA,
      ],
  )
  def edge_pass(table_hbm, src_hbm, dst_hbm, zeros_hbm, out_hbm,
                src_v, dst_v, rows_v, acc_sh, sem):
    c = lax.axis_index("c")
    s = lax.axis_index("s")
    wid = c * NS + s
    r0 = s * RPT
    pltpu.sync_copy(zeros_hbm.at[pl.ds(r0, RPT)], acc_sh.at[pl.ds(r0, RPT)])
    plsc.subcore_barrier()
    base = wid * EPW

    def body(j, carry):
      off = base + j * K
      pltpu.sync_copy(src_hbm.at[pl.ds(off, K)], src_v)
      pltpu.sync_copy(dst_hbm.at[pl.ds(off, K)], dst_v)
      pltpu.async_copy(table_hbm.at[src_v], rows_v, sem).wait()
      pltpu.sync_copy(rows_v, acc_sh.at[dst_v], add=True)
      return carry

    lax.fori_loop(0, NCHUNK, body, 0)
    plsc.subcore_barrier()
    pltpu.sync_copy(acc_sh.at[pl.ds(r0, RPT)], out_hbm.at[c, pl.ds(r0, RPT)])

  return edge_pass


def _tc1_body(x_ref, w_ref, degp_ref, hs_ref, dinv_ref):
  deg = degp_ref[0] + degp_ref[1] + 1.0
  dinv = lax.rsqrt(deg)
  dinv_ref[...] = dinv
  u = jnp.dot(x_ref[...], w_ref[...], preferred_element_type=jnp.float32)
  hs_ref[...] = u * dinv


def _tc2_body(accp_ref, hs1_ref, dinv_ref, b1_ref, w2_ref, hs2_ref):
  dinv = dinv_ref[...]
  t = (accp_ref[0] + accp_ref[1] + hs1_ref[...]) * dinv + b1_ref[...]
  h1 = jnp.maximum(t, 0.0)
  u2 = jnp.dot(h1, w2_ref[...], preferred_element_type=jnp.float32)
  hs2_ref[...] = u2 * dinv[:, :8]


def _tc3_body(accp_ref, hs2_ref, dinv_ref, b2_ref, wfc_ref, bfc_ref, out_ref):
  dinv8 = dinv_ref[...][:, :8]
  t = (accp_ref[0] + accp_ref[1] + hs2_ref[...]) * dinv8 + b2_ref[...]
  h2 = jnp.maximum(t, 0.0)
  out_ref[...] = (
      jnp.dot(h2, wfc_ref[...], preferred_element_type=jnp.float32)
      + bfc_ref[...])


_deg_kernel = _make_deg_kernel()
_edge_pass16 = _make_edge_pass(16)
_edge_pass8 = _make_edge_pass(8)

_tc1 = pl.pallas_call(
    _tc1_body,
    out_shape=(jax.ShapeDtypeStruct((N_NODES, 16), jnp.float32),
               jax.ShapeDtypeStruct((N_NODES, 16), jnp.float32)),
)

_tc2 = pl.pallas_call(
    _tc2_body,
    out_shape=jax.ShapeDtypeStruct((N_NODES, 8), jnp.float32),
)

_tc3 = pl.pallas_call(
    _tc3_body,
    out_shape=jax.ShapeDtypeStruct((N_NODES, 128), jnp.float32),
)


def kernel(x, edge_index, W1, b1, W2, b2, Wfc, bfc):
  src = edge_index[0]
  dst = edge_index[1]
  zeros16 = jnp.zeros((N_PAD, 16), jnp.float32)
  zeros8 = jnp.zeros((N_PAD, 8), jnp.float32)
  pad = ((0, N_PAD - N_NODES), (0, 0))

  degp = _deg_kernel(dst, zeros16)
  hs1, dinv = _tc1(x, W1, degp[:, :N_NODES])
  acc1 = _edge_pass16(jnp.pad(hs1, pad), src, dst, zeros16)
  hs2 = _tc2(acc1[:, :N_NODES], hs1, dinv, b1.reshape(1, 16), W2)
  acc2 = _edge_pass8(jnp.pad(hs2, pad), src, dst, zeros8)
  out = _tc3(acc2[:, :N_NODES], hs2, dinv, b2.reshape(1, 8), Wfc, bfc.reshape(1, 128))
  return out

# --- scband reference (transcript-rebuilt; emitter-appended) ---
"""Pipeline reference for scband-traffic-gnn-1348619730951 (READ-ONLY COPY).

The authoritative reference and input builder live on the scoring server;
editing this copy changes nothing except your own understanding.
"""

import jax, jax.numpy as jnp
import numpy as np

NUM_NODES = 10000
INPUT_DIM = 128
OUTPUT_DIM = 128
H1 = 16
H2 = 8


def setup_inputs(seed: int = 0) -> dict:
    key = jax.random.key(seed)
    ks = jax.random.split(key, 8)
    x = jax.random.normal(ks[0], (NUM_NODES, INPUT_DIM), dtype=jnp.float32)
    edge_index = jax.random.randint(ks[1], (2, 320000), 0, NUM_NODES, dtype=jnp.int64 if jax.config.jax_enable_x64 else jnp.int32).astype(jnp.int32)
    # Glorot-ish init for GCN weights (PyG GCNConv: lin without bias, separate bias)
    W1 = jax.random.normal(ks[2], (INPUT_DIM, H1), dtype=jnp.float32) * (1.0 / np.sqrt(INPUT_DIM))
    b1 = jnp.zeros((H1,), dtype=jnp.float32)
    W2 = jax.random.normal(ks[3], (H1, H2), dtype=jnp.float32) * (1.0 / np.sqrt(H1))
    b2 = jnp.zeros((H2,), dtype=jnp.float32)
    Wfc = jax.random.normal(ks[4], (H2, OUTPUT_DIM), dtype=jnp.float32) * (1.0 / np.sqrt(H2))
    bfc = jnp.zeros((OUTPUT_DIM,), dtype=jnp.float32)
    return {"x": x, "edge_index": edge_index, "W1": W1, "b1": b1, "W2": W2, "b2": b2, "Wfc": Wfc, "bfc": bfc}


def gcn_conv(x, src, dst, norm, W, b, num_nodes):
    # x' = D^{-1/2} (A + I) D^{-1/2} X W + b
    h = x @ W
    msg = jnp.take(h, src, axis=0) * norm[:, None]
    out = jnp.zeros((num_nodes, h.shape[1]), dtype=h.dtype).at[dst].add(msg)
    return out + b


def _prep_edges(edge_index, num_nodes):
    loops = jnp.arange(num_nodes, dtype=edge_index.dtype)
    src = jnp.concatenate([edge_index[0], loops])
    dst = jnp.concatenate([edge_index[1], loops])
    deg = jnp.zeros((num_nodes,), dtype=jnp.float32).at[dst].add(1.0)
    dinv = jnp.where(deg > 0, jax.lax.rsqrt(jnp.maximum(deg, 1.0)), 0.0)
    norm = jnp.take(dinv, src) * jnp.take(dinv, dst)
    return src, dst, norm


def reference(x, edge_index, W1, b1, W2, b2, Wfc, bfc):
    num_nodes = x.shape[0]
    src, dst, norm = _prep_edges(edge_index, num_nodes)
    h = gcn_conv(x, src, dst, norm, W1, b1, num_nodes)
    h = jax.nn.relu(h)
    h = gcn_conv(h, src, dst, norm, W2, b2, num_nodes)
    h = jax.nn.relu(h)
    out = h @ Wfc + bfc
    return out

if __name__ == "__main__":
    import jax
    _d = setup_inputs()
    print(jax.jit(kernel)(*tuple(_d.values())))

</pallas_src>

<mosaic_0001>
#map = affine_map<(d0, d1) -> (0)>
#map1 = affine_map<(d0, d1) -> (0, 0)>
#map2 = affine_map<(d0, d1) -> (0, 0, 0)>
module attributes {stable_mosaic.version = 14 : i64} {
  func.func @deg_kernel(%arg0: i32, %arg1: i32, %arg2: memref<320000xi32, #tpu.memory_space<hbm>>, %arg3: memref<10240x16xf32, #tpu.memory_space<hbm>>, %arg4: memref<2x10240x16xf32, #tpu.memory_space<hbm>>, %arg5: memref<80xi32, #tpu.memory_space<vmem>>, %arg6: memref<80x16xf32, #tpu.memory_space<vmem>>, %arg7: memref<10240x16xf32, #tpu.memory_space<vmem_shared>>) attributes {dimension_semantics = [#tpu.dimension_semantics<core_parallel>, #tpu.dimension_semantics<subcore_parallel>], iteration_bounds = array<i64: 2, 16>, scalar_prefetch = 0 : i64, scratch_operands = 3 : i64, tpu.core_type = #tpu.core_type<sc_vector_subcore>, window_params = [{transform_indices = #map}, {transform_indices = #map1}, {transform_indices = #map2}]} {
    %mul3A = arith.constant 16 : i32
    %mul3A_0 = arith.muli %arg0, %mul3A : i32
    %add3A = arith.addi %mul3A_0, %arg1 : i32
    %mul3A_1 = arith.constant 640 : i32
    %mul3A_2 = arith.muli %arg1, %mul3A_1 : i32
    "tpu.region"() ({
      %run_scoped3A = tpu.sem_alloc : memref<!tpu.dma_semaphore, #tpu.memory_space<semaphore_mem>>
      %dma_start3A = arith.constant 0 : i32
      %dma_start3A_491 = tpu.memref_slice %arg7[%mul3A_2, %dma_start3A] : memref<10240x16xf32, #tpu.memory_space<vmem_shared>> -> memref<640x16xf32, #tpu.memory_space<vmem_shared>>
      %dma_start3A_492 = arith.constant 0 : i32
      %dma_start3A_493 = tpu.memref_slice %arg3[%mul3A_2, %dma_start3A_492] : memref<10240x16xf32, #tpu.memory_space<hbm>> -> memref<640x16xf32, #tpu.memory_space<hbm>>
      tpu.enqueue_dma source(%dma_start3A_493 : memref<640x16xf32, #tpu.memory_space<hbm>>) target(%dma_start3A_491 : memref<640x16xf32, #tpu.memory_space<vmem_shared>>) target_semaphore(%run_scoped3A : memref<!tpu.dma_semaphore, #tpu.memory_space<semaphore_mem>>)
      %dma_wait3A = arith.constant 0 : i32
      %dma_wait3A_494 = tpu.memref_slice %arg7[%mul3A_2, %dma_wait3A] : memref<10240x16xf32, #tpu.memory_space<vmem_shared>> -> memref<640x16xf32, #tpu.memory_space<vmem_shared>>
      %dma_wait3A_495 = arith.constant 0 : i32
      %dma_wait3A_496 = tpu.memref_slice %arg3[%mul3A_2, %dma_wait3A_495] : memref<10240x16xf32, #tpu.memory_space<hbm>> -> memref<640x16xf32, #tpu.memory_space<hbm>>
      tpu.wait_dma2 semaphore(%run_scoped3A : memref<!tpu.dma_semaphore, #tpu.memory_space<semaphore_mem>>) src(%dma_wait3A_496 : memref<640x16xf32, #tpu.memory_space<hbm>>) dst(%dma_wait3A_494 : memref<640x16xf32, #tpu.memory_space<vmem_shared>>)
      tpu.yield
    }) : () -> ()
    %broadcast_in_dim3A = arith.constant 1.000000e+00 : f32
    %broadcast_in_dim3A_3 = vector.broadcast %broadcast_in_dim3A : f32 to vector<16xf32>
    %swap3A = arith.constant 0 : i32
    %swap3A_4 = arith.index_cast %swap3A : i32 to index
    %swap3A_5 = arith.constant 0 : index
    %swap3A_6 = tpu.vector_load %arg6[%swap3A_4, %swap3A_5] {strides = array<i32>} : memref<80x16xf32, #tpu.memory_space<vmem>>, vector<1x16xf32>,
    %swap3A_7 = vector.shape_cast %swap3A_6 : vector<1x16xf32> to vector<16xf32>
    %swap3A_8 = vector.shape_cast %broadcast_in_dim3A_3 : vector<16xf32> to vector<1x16xf32>
    tpu.vector_store %arg6[%swap3A_4, %swap3A_5], %swap3A_8 {strides = array<i32>} : memref<80x16xf32, #tpu.memory_space<vmem>>, vector<1x16xf32>,
    %swap3A_9 = arith.constant 1 : i32
    %swap3A_10 = arith.index_cast %swap3A_9 : i32 to index
    %swap3A_11 = arith.constant 0 : index
    %swap3A_12 = tpu.vector_load %arg6[%swap3A_10, %swap3A_11] {strides = array<i32>} : memref<80x16xf32, #tpu.memory_space<vmem>>, vector<1x16xf32>,
    %swap3A_13 = vector.shape_cast %swap3A_12 : vector<1x16xf32> to vector<16xf32>
    %swap3A_14 = vector.shape_cast %broadcast_in_dim3A_3 : vector<16xf32> to vector<1x16xf32>
    tpu.vector_store %arg6[%swap3A_10, %swap3A_11], %swap3A_14 {strides = array<i32>} : memref<80x16xf32, #tpu.memory_space<vmem>>, vector<1x16xf32>,
    %swap3A_15 = arith.constant 2 : i32
    %swap3A_16 = arith.index_cast %swap3A_15 : i32 to index
    %swap3A_17 = arith.constant 0 : index
    %swap3A_18 = tpu.vector_load %arg6[%swap3A_16, %swap3A_17] {strides = array<i32>} : memref<80x16xf32, #tpu.memory_space<vmem>>, vector<1x16xf32>,
    %swap3A_19 = vector.shape_cast %swap3A_18 : vector<1x16xf32> to vector<16xf32>
    %swap3A_20 = vector.shape_cast %broadcast_in_dim3A_3 : vector<16xf32> to vector<1x16xf32>
    tpu.vector_store %arg6[%swap3A_16, %swap3A_17], %swap3A_20 {strides = array<i32>} : memref<80x16xf32, #tpu.memory_space<vmem>>, vector<1x16xf32>,
    %swap3A_21 = arith.constant 3 : i32
    %swap3A_22 = arith.index_cast %swap3A_21 : i32 to index
    %swap3A_23 = arith.constant 0 : index
    %swap3A_24 = tpu.vector_load %arg6[%swap3A_22, %swap3A_23] {strides = array<i32>} : memref<80x16xf32, #tpu.memory_space<vmem>>, vector<1x16xf32>,
    %swap3A_25 = vector.shape_cast %swap3A_24 : vector<1x16xf32> to vector<16xf32>
    %swap3A_26 = vector.shape_cast %broadcast_in_dim3A_3 : vector<16xf32> to vector<1x16xf32>
    tpu.vector_store %arg6[%swap3A_22, %swap3A_23], %swap3A_26 {strides = array<i32>} : memref<80x16xf32, #tpu.memory_space<vmem>>, vector<1x16xf32>,
    %swap3A_27 = arith.constant 4 : i32
    %swap3A_28 = arith.index_cast %swap3A_27 : i32 to index
    %swap3A_29 = arith.constant 0 : index
    %swap3A_30 = tpu.vector_load %arg6[%swap3A_28, %swap3A_29] {strides = array<i32>} : memref<80x16xf32, #tpu.memory_space<vmem>>, vector<1x16xf32>,
    %swap3A_31 = vector.shape_cast %swap3A_30 : vector<1x16xf32> to vector<16xf32>
    %swap3A_32 = vector.shape_cast %broadcast_in_dim3A_3 : vector<16xf32> to vector<1x16xf32>
    tpu.vector_store %arg6[%swap3A_28, %swap3A_29], %swap3A_32 {strides = array<i32>} : memref<80x16xf32, #tpu.memory_space<vmem>>, vector<1x16xf32>,
    %swap3A_33 = arith.constant 5 : i32
    %swap3A_34 = arith.index_cast %swap3A_33 : i32 to index
    %swap3A_35 = arith.constant 0 : index
    %swap3A_36 = tpu.vector_load %arg6[%swap3A_34, %swap3A_35] {strides = array<i32>} : memref<80x16xf32, #tpu.memory_space<vmem>>, vector<1x16xf32>,
    %swap3A_37 = vector.shape_cast %swap3A_36 : vector<1x16xf32> to vector<16xf32>
    %swap3A_38 = vector.shape_cast %broadcast_in_dim3A_3 : vector<16xf32> to vector<1x16xf32>
    tpu.vector_store %arg6[%swap3A_34, %swap3A_35], %swap3A_38 {strides = array<i32>} : memref<80x16xf32, #tpu.memory_space<vmem>>, vector<1x16xf32>,
    %swap3A_39 = arith.constant 6 : i32
    %swap3A_40 = arith.index_cast %swap3A_39 : i32 to index
    %swap3A_41 = arith.constant 0 : index
    %swap3A_42 = tpu.vector_load %arg6[%swap3A_40, %swap3A_41] {strides = array<i32>} : memref<80x16xf32, #tpu.memory_space<vmem>>, vector<1x16xf32>,
    %swap3A_43 = vector.shape_cast %swap3A_42 : vector<1x16xf32> to vector<16xf32>
    %swap3A_44 = vector.shape_cast %broadcast_in_dim3A_3 : vector<16xf32> to vector<1x16xf32>
    tpu.vector_store %arg6[%swap3A_40, %swap3A_41], %swap3A_44 {strides = array<i32>} : memref<80x16xf32, #tpu.memory_space<vmem>>, vector<1x16xf32>,
    %swap3A_45 = arith.constant 7 : i32
    %swap3A_46 = arith.index_cast %swap3A_45 : i32 to index
    %swap3A_47 = arith.constant 0 : index
    %swap3A_48 = tpu.vector_load %arg6[%swap3A_46, %swap3A_47] {strides = array<i32>} : memref<80x16xf32, #tpu.memory_space<vmem>>, vector<1x16xf32>,
    %swap3A_49 = vector.shape_cast %swap3A_48 : vector<1x16xf32> to vector<16xf32>
    %swap3A_50 = vector.shape_cast %broadcast_in_dim3A_3 : vector<16xf32> to vector<1x16xf32>
    tpu.vector_store %arg6[%swap3A_46, %swap3A_47], %swap3A_50 {strides = array<i32>} : memref<80x16xf32, #tpu.memory_space<vmem>>, vector<1x16xf32>,
    %swap3A_51 = arith.constant 8 : i32
    %swap3A_52 = arith.index_cast %swap3A_51 : i32 to index
    %swap3A_53 = arith.constant 0 : index
    %swap3A_54 = tpu.vector_load %arg6[%swap3A_52, %swap3A_53] {strides = array<i32>} : memref<80x16xf32, #tpu.memory_space<vmem>>, vector<1x16xf32>,
    %swap3A_55 = vector.shape_cast %swap3A_54 : vector<1x16xf32> to vector<16xf32>
    %swap3A_56 = vector.shape_cast %broadcast_in_dim3A_3 : vector<16xf32> to vector<1x16xf32>
    tpu.vector_store %arg6[%swap3A_52, %swap3A_53], %swap3A_56 {strides = array<i32>} : memref<80x16xf32, #tpu.memory_space<vmem>>, vector<1x16xf32>,
    %swap3A_57 = arith.constant 9 : i32
    %swap3A_58 = arith.index_cast %swap3A_57 : i32 to index
    %swap3A_59 = arith.constant 0 : index
    %swap3A_60 = tpu.vector_load %arg6[%swap3A_58, %swap3A_59] {strides = array<i32>} : memref<80x16xf32, #tpu.memory_space<vmem>>, vector<1x16xf32>,
    %swap3A_61 = vector.shape_cast %swap3A_60 : vector<1x16xf32> to vector<16xf32>
    %swap3A_62 = vector.shape_cast %broadcast_in_dim3A_3 : vector<16xf32> to vector<1x16xf32>
    tpu.vector_store %arg6[%swap3A_58, %swap3A_59], %swap3A_62 {strides = array<i32>} : memref<80x16xf32, #tpu.memory_space<vmem>>, vector<1x16xf32>,
    %swap3A_63 = arith.constant 10 : i32
    %swap3A_64 = arith.index_cast %swap3A_63 : i32 to index
    %swap3A_65 = arith.constant 0 : index
    %swap3A_66 = tpu.vector_load %arg6[%swap3A_64, %swap3A_65] {strides = array<i32>} : memref<80x16xf32, #tpu.memory_space<vmem>>, vector<1x16xf32>,
    %swap3A_67 = vector.shape_cast %swap3A_66 : vector<1x16xf32> to vector<16xf32>
    %swap3A_68 = vector.shape_cast %broadcast_in_dim3A_3 : vector<16xf32> to vector<1x16xf32>
    tpu.vector_store %arg6[%swap3A_64, %swap3A_65], %swap3A_68 {strides = array<i32>} : memref<80x16xf32, #tpu.memory_space<vmem>>, vector<1x16xf32>,
    %swap3A_69 = arith.constant 11 : i32
    %swap3A_70 = arith.index_cast %swap3A_69 : i32 to index
    %swap3A_71 = arith.constant 0 : index
    %swap3A_72 = tpu.vector_load %arg6[%swap3A_70, %swap3A_71] {strides = array<i32>} : memref<80x16xf32, #tpu.memory_space<vmem>>, vector<1x16xf32>,
    %swap3A_73 = vector.shape_cast %swap3A_72 : vector<1x16xf32> to vector<16xf32>
    %swap3A_74 = vector.shape_cast %broadcast_in_dim3A_3 : vector<16xf32> to vector<1x16xf32>
    tpu.vector_store %arg6[%swap3A_70, %swap3A_71], %swap3A_74 {strides = array<i32>} : memref<80x16xf32, #tpu.memory_space<vmem>>, vector<1x16xf32>,
    %swap3A_75 = arith.constant 12 : i32
    %swap3A_76 = arith.index_cast %swap3A_75 : i32 to index
    %swap3A_77 = arith.constant 0 : index
    %swap3A_78 = tpu.vector_load %arg6[%swap3A_76, %swap3A_77] {strides = array<i32>} : memref<80x16xf32, #tpu.memory_space<vmem>>, vector<1x16xf32>,
    %swap3A_79 = vector.shape_cast %swap3A_78 : vector<1x16xf32> to vector<16xf32>
    %swap3A_80 = vector.shape_cast %broadcast_in_dim3A_3 : vector<16xf32> to vector<1x16xf32>
    tpu.vector_store %arg6[%swap3A_76, %swap3A_77], %swap3A_80 {strides = array<i32>} : memref<80x16xf32, #tpu.memory_space<vmem>>, vector<1x16xf32>,
    %swap3A_81 = arith.constant 13 : i32
    %swap3A_82 = arith.index_cast %swap3A_81 : i32 to index
    %swap3A_83 = arith.constant 0 : index
    %swap3A_84 = tpu.vector_load %arg6[%swap3A_82, %swap3A_83] {strides = array<i32>} : memref<80x16xf32, #tpu.memory_space<vmem>>, vector<1x16xf32>,
    %swap3A_85 = vector.shape_cast %swap3A_84 : vector<1x16xf32> to vector<16xf32>
    %swap3A_86 = vector.shape_cast %broadcast_in_dim3A_3 : vector<16xf32> to vector<1x16xf32>
    tpu.vector_store %arg6[%swap3A_82, %swap3A_83], %swap3A_86 {strides = array<i32>} : memref<80x16xf32, #tpu.memory_space<vmem>>, vector<1x16xf32>,
    %swap3A_87 = arith.constant 14 : i32
    %swap3A_88 = arith.index_cast %swap3A_87 : i32 to index
    %swap3A_89 = arith.constant 0 : index
    %swap3A_90 = tpu.vector_load %arg6[%swap3A_88, %swap3A_89] {strides = array<i32>} : memref<80x16xf32, #tpu.memory_space<vmem>>, vector<1x16xf32>,
    %swap3A_91 = vector.shape_cast %swap3A_90 : vector<1x16xf32> to vector<16xf32>
    %swap3A_92 = vector.shape_cast %broadcast_in_dim3A_3 : vector<16xf32> to vector<1x16xf32>
    tpu.vector_store %arg6[%swap3A_88, %swap3A_89], %swap3A_92 {strides = array<i32>} : memref<80x16xf32, #tpu.memory_space<vmem>>, vector<1x16xf32>,
    %swap3A_93 = arith.constant 15 : i32
    %swap3A_94 = arith.index_cast %swap3A_93 : i32 to index
    %swap3A_95 = arith.constant 0 : index
    %swap3A_96 = tpu.vector_load %arg6[%swap3A_94, %swap3A_95] {strides = array<i32>} : memref<80x16xf32, #tpu.memory_space<vmem>>, vector<1x16xf32>,
    %swap3A_97 = vector.shape_cast %swap3A_96 : vector<1x16xf32> to vector<16xf32>
    %swap3A_98 = vector.shape_cast %broadcast_in_dim3A_3 : vector<16xf32> to vector<1x16xf32>
    tpu.vector_store %arg6[%swap3A_94, %swap3A_95], %swap3A_98 {strides = array<i32>} : memref<80x16xf32, #tpu.memory_space<vmem>>, vector<1x16xf32>,
    %swap3A_99 = arith.constant 16 : i32
    %swap3A_100 = arith.index_cast %swap3A_99 : i32 to index
    %swap3A_101 = arith.constant 0 : index
    %swap3A_102 = tpu.vector_load %arg6[%swap3A_100, %swap3A_101] {strides = array<i32>} : memref<80x16xf32, #tpu.memory_space<vmem>>, vector<1x16xf32>,
    %swap3A_103 = vector.shape_cast %swap3A_102 : vector<1x16xf32> to vector<16xf32>
    %swap3A_104 = vector.shape_cast %broadcast_in_dim3A_3 : vector<16xf32> to vector<1x16xf32>
    tpu.vector_store %arg6[%swap3A_100, %swap3A_101], %swap3A_104 {strides = array<i32>} : memref<80x16xf32, #tpu.memory_space<vmem>>, vector<1x16xf32>,
    %swap3A_105 = arith.constant 17 : i32
    %swap3A_106 = arith.index_cast %swap3A_105 : i32 to index
    %swap3A_107 = arith.constant 0 : index
    %swap3A_108 = tpu.vector_load %arg6[%swap3A_106, %swap3A_107] {strides = array<i32>} : memref<80x16xf32, #tpu.memory_space<vmem>>, vector<1x16xf32>,
    %swap3A_109 = vector.shape_cast %swap3A_108 : vector<1x16xf32> to vector<16xf32>
    %swap3A_110 = vector.shape_cast %broadcast_in_dim3A_3 : vector<16xf32> to vector<1x16xf32>
    tpu.vector_store %arg6[%swap3A_106, %swap3A_107], %swap3A_110 {strides = array<i32>} : memref<80x16xf32, #tpu.memory_space<vmem>>, vector<1x16xf32>,
    %swap3A_111 = arith.constant 18 : i32
    %swap3A_112 = arith.index_cast %swap3A_111 : i32 to index
    %swap3A_113 = arith.constant 0 : index
    %swap3A_114 = tpu.vector_load %arg6[%swap3A_112, %swap3A_113] {strides = array<i32>} : memref<80x16xf32, #tpu.memory_space<vmem>>, vector<1x16xf32>,
    %swap3A_115 = vector.shape_cast %swap3A_114 : vector<1x16xf32> to vector<16xf32>
    %swap3A_116 = vector.shape_cast %broadcast_in_dim3A_3 : vector<16xf32> to vector<1x16xf32>
    tpu.vector_store %arg6[%swap3A_112, %swap3A_113], %swap3A_116 {strides = array<i32>} : memref<80x16xf32, #tpu.memory_space<vmem>>, vector<1x16xf32>,
    %swap3A_117 = arith.constant 19 : i32
    %swap3A_118 = arith.index_cast %swap3A_117 : i32 to index
    %swap3A_119 = arith.constant 0 : index
    %swap3A_120 = tpu.vector_load %arg6[%swap3A_118, %swap3A_119] {strides = array<i32>} : memref<80x16xf32, #tpu.memory_space<vmem>>, vector<1x16xf32>,
    %swap3A_121 = vector.shape_cast %swap3A_120 : vector<1x16xf32> to vector<16xf32>
    %swap3A_122 = vector.shape_cast %broadcast_in_dim3A_3 : vector<16xf32> to vector<1x16xf32>
    tpu.vector_store %arg6[%swap3A_118, %swap3A_119], %swap3A_122 {strides = array<i32>} : memref<80x16xf32, #tpu.memory_space<vmem>>, vector<1x16xf32>,
    %swap3A_123 = arith.constant 20 : i32
    %swap3A_124 = arith.index_cast %swap3A_123 : i32 to index
    %swap3A_125 = arith.constant 0 : index
    %swap3A_126 = tpu.vector_load %arg6[%swap3A_124, %swap3A_125] {strides = array<i32>} : memref<80x16xf32, #tpu.memory_space<vmem>>, vector<1x16xf32>,
    %swap3A_127 = vector.shape_cast %swap3A_126 : vector<1x16xf32> to vector<16xf32>
    %swap3A_128 = vector.shape_cast %broadcast_in_dim3A_3 : vector<16xf32> to vector<1x16xf32>
    tpu.vector_store %arg6[%swap3A_124, %swap3A_125], %swap3A_128 {strides = array<i32>} : memref<80x16xf32, #tpu.memory_space<vmem>>, vector<1x16xf32>,
    %swap3A_129 = arith.constant 21 : i32
    %swap3A_130 = arith.index_cast %swap3A_129 : i32 to index
    %swap3A_131 = arith.constant 0 : index
    %swap3A_132 = tpu.vector_load %arg6[%swap3A_130, %swap3A_131] {strides = array<i32>} : memref<80x16xf32, #tpu.memory_space<vmem>>, vector<1x16xf32>,
    %swap3A_133 = vector.shape_cast %swap3A_132 : vector<1x16xf32> to vector<16xf32>
    %swap3A_134 = vector.shape_cast %broadcast_in_dim3A_3 : vector<16xf32> to vector<1x16xf32>
    tpu.vector_store %arg6[%swap3A_130, %swap3A_131], %swap3A_134 {strides = array<i32>} : memref<80x16xf32, #tpu.memory_space<vmem>>, vector<1x16xf32>,
    %swap3A_135 = arith.constant 22 : i32
    %swap3A_136 = arith.index_cast %swap3A_135 : i32 to index
    %swap3A_137 = arith.constant 0 : index
    %swap3A_138 = tpu.vector_load %arg6[%swap3A_136, %swap3A_137] {strides = array<i32>} : memref<80x16xf32, #tpu.memory_space<vmem>>, vector<1x16xf32>,
    %swap3A_139 = vector.shape_cast %swap3A_138 : vector<1x16xf32> to vector<16xf32>
    %swap3A_140 = vector.shape_cast %broadcast_in_dim3A_3 : vector<16xf32> to vector<1x16xf32>
    tpu.vector_store %arg6[%swap3A_136, %swap3A_137], %swap3A_140 {strides = array<i32>} : memref<80x16xf32, #tpu.memory_space<vmem>>, vector<1x16xf32>,
    %swap3A_141 = arith.constant 23 : i32
    %swap3A_142 = arith.index_cast %swap3A_141 : i32 to index
    %swap3A_143 = arith.constant 0 : index
    %swap3A_144 = tpu.vector_load %arg6[%swap3A_142, %swap3A_143] {strides = array<i32>} : memref<80x16xf32, #tpu.memory_space<vmem>>, vector<1x16xf32>,
    %swap3A_145 = vector.shape_cast %swap3A_144 : vector<1x16xf32> to vector<16xf32>
    %swap3A_146 = vector.shape_cast %broadcast_in_dim3A_3 : vector<16xf32> to vector<1x16xf32>
    tpu.vector_store %arg6[%swap3A_142, %swap3A_143], %swap3A_146 {strides = array<i32>} : memref<80x16xf32, #tpu.memory_space<vmem>>, vector<1x16xf32>,
    %swap3A_147 = arith.constant 24 : i32
    %swap3A_148 = arith.index_cast %swap3A_147 : i32 to index
    %swap3A_149 = arith.constant 0 : index
    %swap3A_150 = tpu.vector_load %arg6[%swap3A_148, %swap3A_149] {strides = array<i32>} : memref<80x16xf32, #tpu.memory_space<vmem>>, vector<1x16xf32>,
    %swap3A_151 = vector.shape_cast %swap3A_150 : vector<1x16xf32> to vector<16xf32>
    %swap3A_152 = vector.shape_cast %broadcast_in_dim3A_3 : vector<16xf32> to vector<1x16xf32>
    tpu.vector_store %arg6[%swap3A_148, %swap3A_149], %swap3A_152 {strides = array<i32>} : memref<80x16xf32, #tpu.memory_space<vmem>>, vector<1x16xf32>,
    %swap3A_153 = arith.constant 25 : i32
    %swap3A_154 = arith.index_cast %swap3A_153 : i32 to index
    %swap3A_155 = arith.constant 0 : index
    %swap3A_156 = tpu.vector_load %arg6[%swap3A_154, %swap3A_155] {strides = array<i32>} : memref<80x16xf32, #tpu.memory_space<vmem>>, vector<1x16xf32>,
    %swap3A_157 = vector.shape_cast %swap3A_156 : vector<1x16xf32> to vector<16xf32>
    %swap3A_158 = vector.shape_cast %broadcast_in_dim3A_3 : vector<16xf32> to vector<1x16xf32>
    tpu.vector_store %arg6[%swap3A_154, %swap3A_155], %swap3A_158 {strides = array<i32>} : memref<80x16xf32, #tpu.memory_space<vmem>>, vector<1x16xf32>,
    %swap3A_159 = arith.constant 26 : i32
    %swap3A_160 = arith.index_cast %swap3A_159 : i32 to index
    %swap3A_161 = arith.constant 0 : index
    %swap3A_162 = tpu.vector_load %arg6[%swap3A_160, %swap3A_161] {strides = array<i32>} : memref<80x16xf32, #tpu.memory_space<vmem>>, vector<1x16xf32>,
    %swap3A_163 = vector.shape_cast %swap3A_162 : vector<1x16xf32> to vector<16xf32>
    %swap3A_164 = vector.shape_cast %broadcast_in_dim3A_3 : vector<16xf32> to vector<1x16xf32>
    tpu.vector_store %arg6[%swap3A_160, %swap3A_161], %swap3A_164 {strides = array<i32>} : memref<80x16xf32, #tpu.memory_space<vmem>>, vector<1x16xf32>,
    %swap3A_165 = arith.constant 27 : i32
    %swap3A_166 = arith.index_cast %swap3A_165 : i32 to index
    %swap3A_167 = arith.constant 0 : index
    %swap3A_168 = tpu.vector_load %arg6[%swap3A_166, %swap3A_167] {strides = array<i32>} : memref<80x16xf32, #tpu.memory_space<vmem>>, vector<1x16xf32>,
    %swap3A_169 = vector.shape_cast %swap3A_168 : vector<1x16xf32> to vector<16xf32>
    %swap3A_170 = vector.shape_cast %broadcast_in_dim3A_3 : vector<16xf32> to vector<1x16xf32>
    tpu.vector_store %arg6[%swap3A_166, %swap3A_167], %swap3A_170 {strides = array<i32>} : memref<80x16xf32, #tpu.memory_space<vmem>>, vector<1x16xf32>,
    %swap3A_171 = arith.constant 28 : i32
    %swap3A_172 = arith.index_cast %swap3A_171 : i32 to index
    %swap3A_173 = arith.constant 0 : index
    %swap3A_174 = tpu.vector_load %arg6[%swap3A_172, %swap3A_173] {strides = array<i32>} : memref<80x16xf32, #tpu.memory_space<vmem>>, vector<1x16xf32>,
    %swap3A_175 = vector.shape_cast %swap3A_174 : vector<1x16xf32> to vector<16xf32>
    %swap3A_176 = vector.shape_cast %broadcast_in_dim3A_3 : vector<16xf32> to vector<1x16xf32>
    tpu.vector_store %arg6[%swap3A_172, %swap3A_173], %swap3A_176 {strides = array<i32>} : memref<80x16xf32, #tpu.memory_space<vmem>>, vector<1x16xf32>,
    %swap3A_177 = arith.constant 29 : i32
    %swap3A_178 = arith.index_cast %swap3A_177 : i32 to index
    %swap3A_179 = arith.constant 0 : index
    %swap3A_180 = tpu.vector_load %arg6[%swap3A_178, %swap3A_179] {strides = array<i32>} : memref<80x16xf32, #tpu.memory_space<vmem>>, vector<1x16xf32>,
    %swap3A_181 = vector.shape_cast %swap3A_180 : vector<1x16xf32> to vector<16xf32>
    %swap3A_182 = vector.shape_cast %broadcast_in_dim3A_3 : vector<16xf32> to vector<1x16xf32>
    tpu.vector_store %arg6[%swap3A_178, %swap3A_179], %swap3A_182 {strides = array<i32>} : memref<80x16xf32, #tpu.memory_space<vmem>>, vector<1x16xf32>,
    %swap3A_183 = arith.constant 30 : i32
    %swap3A_184 = arith.index_cast %swap3A_183 : i32 to index
    %swap3A_185 = arith.constant 0 : index
    %swap3A_186 = tpu.vector_load %arg6[%swap3A_184, %swap3A_185] {strides = array<i32>} : memref<80x16xf32, #tpu.memory_space<vmem>>, vector<1x16xf32>,
    %swap3A_187 = vector.shape_cast %swap3A_186 : vector<1x16xf32> to vector<16xf32>
    %swap3A_188 = vector.shape_cast %broadcast_in_dim3A_3 : vector<16xf32> to vector<1x16xf32>
    tpu.vector_store %arg6[%swap3A_184, %swap3A_185], %swap3A_188 {strides = array<i32>} : memref<80x16xf32, #tpu.memory_space<vmem>>, vector<1x16xf32>,
    %swap3A_189 = arith.constant 31 : i32
    %swap3A_190 = arith.index_cast %swap3A_189 : i32 to index
    %swap3A_191 = arith.constant 0 : index
    %swap3A_192 = tpu.vector_load %arg6[%swap3A_190, %swap3A_191] {strides = array<i32>} : memref<80x16xf32, #tpu.memory_space<vmem>>, vector<1x16xf32>,
    %swap3A_193 = vector.shape_cast %swap3A_192 : vector<1x16xf32> to vector<16xf32>
    %swap3A_194 = vector.shape_cast %broadcast_in_dim3A_3 : vector<16xf32> to vector<1x16xf32>
    tpu.vector_store %arg6[%swap3A_190, %swap3A_191], %swap3A_194 {strides = array<i32>} : memref<80x16xf32, #tpu.memory_space<vmem>>, vector<1x16xf32>,
    %swap3A_195 = arith.constant 32 : i32
    %swap3A_196 = arith.index_cast %swap3A_195 : i32 to index
    %swap3A_197 = arith.constant 0 : index
    %swap3A_198 = tpu.vector_load %arg6[%swap3A_196, %swap3A_197] {strides = array<i32>} : memref<80x16xf32, #tpu.memory_space<vmem>>, vector<1x16xf32>,
    %swap3A_199 = vector.shape_cast %swap3A_198 : vector<1x16xf32> to vector<16xf32>
    %swap3A_200 = vector.shape_cast %broadcast_in_dim3A_3 : vector<16xf32> to vector<1x16xf32>
    tpu.vector_store %arg6[%swap3A_196, %swap3A_197], %swap3A_200 {strides = array<i32>} : memref<80x16xf32, #tpu.memory_space<vmem>>, vector<1x16xf32>,
    %swap3A_201 = arith.constant 33 : i32
    %swap3A_202 = arith.index_cast %swap3A_201 : i32 to index
    %swap3A_203 = arith.constant 0 : index
    %swap3A_204 = tpu.vector_load %arg6[%swap3A_202, %swap3A_203] {strides = array<i32>} : memref<80x16xf32, #tpu.memory_space<vmem>>, vector<1x16xf32>,
    %swap3A_205 = vector.shape_cast %swap3A_204 : vector<1x16xf32> to vector<16xf32>
    %swap3A_206 = vector.shape_cast %broadcast_in_dim3A_3 : vector<16xf32> to vector<1x16xf32>
    tpu.vector_store %arg6[%swap3A_202, %swap3A_203], %swap3A_206 {strides = array<i32>} : memref<80x16xf32, #tpu.memory_space<vmem>>, vector<1x16xf32>,
    %swap3A_207 = arith.constant 34 : i32
    %swap3A_208 = arith.index_cast %swap3A_207 : i32 to index
    %swap3A_209 = arith.constant 0 : index
    %swap3A_210 = tpu.vector_load %arg6[%swap3A_208, %swap3A_209] {strides = array<i32>} : memref<80x16xf32, #tpu.memory_space<vmem>>, vector<1x16xf32>,
    %swap3A_211 = vector.shape_cast %swap3A_210 : vector<1x16xf32> to vector<16xf32>
    %swap3A_212 = vector.shape_cast %broadcast_in_dim3A_3 : vector<16xf32> to vector<1x16xf32>
    tpu.vector_store %arg6[%swap3A_208, %swap3A_209], %swap3A_212 {strides = array<i32>} : memref<80x16xf32, #tpu.memory_space<vmem>>, vector<1x16xf32>,
    %swap3A_213 = arith.constant 35 : i32
    %swap3A_214 = arith.index_cast %swap3A_213 : i32 to index
    %swap3A_215 = arith.constant 0 : index
    %swap3A_216 = tpu.vector_load %arg6[%swap3A_214, %swap3A_215] {strides = array<i32>} : memref<80x16xf32, #tpu.memory_space<vmem>>, vector<1x16xf32>,
    %swap3A_217 = vector.shape_cast %swap3A_216 : vector<1x16xf32> to vector<16xf32>
    %swap3A_218 = vector.shape_cast %broadcast_in_dim3A_3 : vector<16xf32> to vector<1x16xf32>
    tpu.vector_store %arg6[%swap3A_214, %swap3A_215], %swap3A_218 {strides = array<i32>} : memref<80x16xf32, #tpu.memory_space<vmem>>, vector<1x16xf32>,
    %swap3A_219 = arith.constant 36 : i32
    %swap3A_220 = arith.index_cast %swap3A_219 : i32 to index
    %swap3A_221 = arith.constant 0 : index
    %swap3A_222 = tpu.vector_load %arg6[%swap3A_220, %swap3A_221] {strides = array<i32>} : memref<80x16xf32, #tpu.memory_space<vmem>>, vector<1x16xf32>,
    %swap3A_223 = vector.shape_cast %swap3A_222 : vector<1x16xf32> to vector<16xf32>
    %swap3A_224 = vector.shape_cast %broadcast_in_dim3A_3 : vector<16xf32> to vector<1x16xf32>
    tpu.vector_store %arg6[%swap3A_220, %swap3A_221], %swap3A_224 {strides = array<i32>} : memref<80x16xf32, #tpu.memory_space<vmem>>, vector<1x16xf32>,
    %swap3A_225 = arith.constant 37 : i32
    %swap3A_226 = arith.index_cast %swap3A_225 : i32 to index
    %swap3A_227 = arith.constant 0 : index
    %swap3A_228 = tpu.vector_load %arg6[%swap3A_226, %swap3A_227] {strides = array<i32>} : memref<80x16xf32, #tpu.memory_space<vmem>>, vector<1x16xf32>,
    %swap3A_229 = vector.shape_cast %swap3A_228 : vector<1x16xf32> to vector<16xf32>
    %swap3A_230 = vector.shape_cast %broadcast_in_dim3A_3 : vector<16xf32> to vector<1x16xf32>
    tpu.vector_store %arg6[%swap3A_226, %swap3A_227], %swap3A_230 {strides = array<i32>} : memref<80x16xf32, #tpu.memory_space<vmem>>, vector<1x16xf32>,
    %swap3A_231 = arith.constant 38 : i32
    %swap3A_232 = arith.index_cast %swap3A_231 : i32 to index
    %swap3A_233 = arith.constant 0 : index
    %swap3A_234 = tpu.vector_load %arg6[%swap3A_232, %swap3A_233] {strides = array<i32>} : memref<80x16xf32, #tpu.memory_space<vmem>>, vector<1x16xf32>,
    %swap3A_235 = vector.shape_cast %swap3A_234 : vector<1x16xf32> to vector<16xf32>
    %swap3A_236 = vector.shape_cast %broadcast_in_dim3A_3 : vector<16xf32> to vector<1x16xf32>
    tpu.vector_store %arg6[%swap3A_232, %swap3A_233], %swap3A_236 {strides = array<i32>} : memref<80x16xf32, #tpu.memory_space<vmem>>, vector<1x16xf32>,
    %swap3A_237 = arith.constant 39 : i32
    %swap3A_238 = arith.index_cast %swap3A_237 : i32 to index
    %swap3A_239 = arith.constant 0 : index
    %swap3A_240 = tpu.vector_load %arg6[%swap3A_238, %swap3A_239] {strides = array<i32>} : memref<80x16xf32, #tpu.memory_space<vmem>>, vector<1x16xf32>,
    %swap3A_241 = vector.shape_cast %swap3A_240 : vector<1x16xf32> to vector<16xf32>
    %swap3A_242 = vector.shape_cast %broadcast_in_dim3A_3 : vector<16xf32> to vector<1x16xf32>
    tpu.vector_store %arg6[%swap3A_238, %swap3A_239], %swap3A_242 {strides = array<i32>} : memref<80x16xf32, #tpu.memory_space<vmem>>, vector<1x16xf32>,
    %swap3A_243 = arith.constant 40 : i32
    %swap3A_244 = arith.index_cast %swap3A_243 : i32 to index
    %swap3A_245 = arith.constant 0 : index
    %swap3A_246 = tpu.vector_load %arg6[%swap3A_244, %swap3A_245] {strides = array<i32>} : memref<80x16xf32, #tpu.memory_space<vmem>>, vector<1x16xf32>,
    %swap3A_247 = vector.shape_cast %swap3A_246 : vector<1x16xf32> to vector<16xf32>
    %swap3A_248 = vector.shape_cast %broadcast_in_dim3A_3 : vector<16xf32> to vector<1x16xf32>
    tpu.vector_store %arg6[%swap3A_244, %swap3A_245], %swap3A_248 {strides = array<i32>} : memref<80x16xf32, #tpu.memory_space<vmem>>, vector<1x16xf32>,
    %swap3A_249 = arith.constant 41 : i32
    %swap3A_250 = arith.index_cast %swap3A_249 : i32 to index
    %swap3A_251 = arith.constant 0 : index
    %swap3A_252 = tpu.vector_load %arg6[%swap3A_250, %swap3A_251] {strides = array<i32>} : memref<80x16xf32, #tpu.memory_space<vmem>>, vector<1x16xf32>,
    %swap3A_253 = vector.shape_cast %swap3A_252 : vector<1x16xf32> to vector<16xf32>
    %swap3A_254 = vector.shape_cast %broadcast_in_dim3A_3 : vector<16xf32> to vector<1x16xf32>
    tpu.vector_store %arg6[%swap3A_250, %swap3A_251], %swap3A_254 {strides = array<i32>} : memref<80x16xf32, #tpu.memory_space<vmem>>, vector<1x16xf32>,
    %swap3A_255 = arith.constant 42 : i32
    %swap3A_256 = arith.index_cast %swap3A_255 : i32 to index
    %swap3A_257 = arith.constant 0 : index
    %swap3A_258 = tpu.vector_load %arg6[%swap3A_256, %swap3A_257] {strides = array<i32>} : memref<80x16xf32, #tpu.memory_space<vmem>>, vector<1x16xf32>,
    %swap3A_259 = vector.shape_cast %swap3A_258 : vector<1x16xf32> to vector<16xf32>
    %swap3A_260 = vector.shape_cast %broadcast_in_dim3A_3 : vector<16xf32> to vector<1x16xf32>
    tpu.vector_store %arg6[%swap3A_256, %swap3A_257], %swap3A_260 {strides = array<i32>} : memref<80x16xf32, #tpu.memory_space<vmem>>, vector<1x16xf32>,
    %swap3A_261 = arith.constant 43 : i32
    %swap3A_262 = arith.index_cast %swap3A_261 : i32 to index
    %swap3A_263 = arith.constant 0 : index
    %swap3A_264 = tpu.vector_load %arg6[%swap3A_262, %swap3A_263] {strides = array<i32>} : memref<80x16xf32, #tpu.memory_space<vmem>>, vector<1x16xf32>,
    %swap3A_265 = vector.shape_cast %swap3A_264 : vector<1x16xf32> to vector<16xf32>
    %swap3A_266 = vector.shape_cast %broadcast_in_dim3A_3 : vector<16xf32> to vector<1x16xf32>
    tpu.vector_store %arg6[%swap3A_262, %swap3A_263], %swap3A_266 {strides = array<i32>} : memref<80x16xf32, #tpu.memory_space<vmem>>, vector<1x16xf32>,
    %swap3A_267 = arith.constant 44 : i32
    %swap3A_268 = arith.index_cast %swap3A_267 : i32 to index
    %swap3A_269 = arith.constant 0 : index
    %swap3A_270 = tpu.vector_load %arg6[%swap3A_268, %swap3A_269] {strides = array<i32>} : memref<80x16xf32, #tpu.memory_space<vmem>>, vector<1x16xf32>,
    %swap3A_271 = vector.shape_cast %swap3A_270 : vector<1x16xf32> to vector<16xf32>
    %swap3A_272 = vector.shape_cast %broadcast_in_dim3A_3 : vector<16xf32> to vector<1x16xf32>
    tpu.vector_store %arg6[%swap3A_268, %swap3A_269], %swap3A_272 {strides = array<i32>} : memref<80x16xf32, #tpu.memory_space<vmem>>, vector<1x16xf32>,
    %swap3A_273 = arith.constant 45 : i32
    %swap3A_274 = arith.index_cast %swap3A_273 : i32 to index
    %swap3A_275 = arith.constant 0 : index
    %swap3A_276 = tpu.vector_load %arg6[%swap3A_274, %swap3A_275] {strides = array<i32>} : memref<80x16xf32, #tpu.memory_space<vmem>>, vector<1x16xf32>,
    %swap3A_277 = vector.shape_cast %swap3A_276 : vector<1x16xf32> to vector<16xf32>
    %swap3A_278 = vector.shape_cast %broadcast_in_dim3A_3 : vector<16xf32> to vector<1x16xf32>
    tpu.vector_store %arg6[%swap3A_274, %swap3A_275], %swap3A_278 {strides = array<i32>} : memref<80x16xf32, #tpu.memory_space<vmem>>, vector<1x16xf32>,
    %swap3A_279 = arith.constant 46 : i32
    %swap3A_280 = arith.index_cast %swap3A_279 : i32 to index
    %swap3A_281 = arith.constant 0 : index
    %swap3A_282 = tpu.vector_load %arg6[%swap3A_280, %swap3A_281] {strides = array<i32>} : memref<80x16xf32, #tpu.memory_space<vmem>>, vector<1x16xf32>,
    %swap3A_283 = vector.shape_cast %swap3A_282 : vector<1x16xf32> to vector<16xf32>
    %swap3A_284 = vector.shape_cast %broadcast_in_dim3A_3 : vector<16xf32> to vector<1x16xf32>
    tpu.vector_store %arg6[%swap3A_280, %swap3A_281], %swap3A_284 {strides = array<i32>} : memref<80x16xf32, #tpu.memory_space<vmem>>, vector<1x16xf32>,
    %swap3A_285 = arith.constant 47 : i32
    %swap3A_286 = arith.index_cast %swap3A_285 : i32 to index
    %swap3A_287 = arith.constant 0 : index
    %swap3A_288 = tpu.vector_load %arg6[%swap3A_286, %swap3A_287] {strides = array<i32>} : memref<80x16xf32, #tpu.memory_space<vmem>>, vector<1x16xf32>,
    %swap3A_289 = vector.shape_cast %swap3A_288 : vector<1x16xf32> to vector<16xf32>
    %swap3A_290 = vector.shape_cast %broadcast_in_dim3A_3 : vector<16xf32> to vector<1x16xf32>
    tpu.vector_store %arg6[%swap3A_286, %swap3A_287], %swap3A_290 {strides = array<i32>} : memref<80x16xf32, #tpu.memory_space<vmem>>, vector<1x16xf32>,
    %swap3A_291 = arith.constant 48 : i32
    %swap3A_292 = arith.index_cast %swap3A_291 : i32 to index
    %swap3A_293 = arith.constant 0 : index
    %swap3A_294 = tpu.vector_load %arg6[%swap3A_292, %swap3A_293] {strides = array<i32>} : memref<80x16xf32, #tpu.memory_space<vmem>>, vector<1x16xf32>,
    %swap3A_295 = vector.shape_cast %swap3A_294 : vector<1x16xf32> to vector<16xf32>
    %swap3A_296 = vector.shape_cast %broadcast_in_dim3A_3 : vector<16xf32> to vector<1x16xf32>
    tpu.vector_store %arg6[%swap3A_292, %swap3A_293], %swap3A_296 {strides = array<i32>} : memref<80x16xf32, #tpu.memory_space<vmem>>, vector<1x16xf32>,
    %swap3A_297 = arith.constant 49 : i32
    %swap3A_298 = arith.index_cast %swap3A_297 : i32 to index
    %swap3A_299 = arith.constant 0 : index
    %swap3A_300 = tpu.vector_load %arg6[%swap3A_298, %swap3A_299] {strides = array<i32>} : memref<80x16xf32, #tpu.memory_space<vmem>>, vector<1x16xf32>,
    %swap3A_301 = vector.shape_cast %swap3A_300 : vector<1x16xf32> to vector<16xf32>
    %swap3A_302 = vector.shape_cast %broadcast_in_dim3A_3 : vector<16xf32> to vector<1x16xf32>
    tpu.vector_store %arg6[%swap3A_298, %swap3A_299], %swap3A_302 {strides = array<i32>} : memref<80x16xf32, #tpu.memory_space<vmem>>, vector<1x16xf32>,
    %swap3A_303 = arith.constant 50 : i32
    %swap3A_304 = arith.index_cast %swap3A_303 : i32 to index
    %swap3A_305 = arith.constant 0 : index
    %swap3A_306 = tpu.vector_load %arg6[%swap3A_304, %swap3A_305] {strides = array<i32>} : memref<80x16xf32, #tpu.memory_space<vmem>>, vector<1x16xf32>,
    %swap3A_307 = vector.shape_cast %swap3A_306 : vector<1x16xf32> to vector<16xf32>
    %swap3A_308 = vector.shape_cast %broadcast_in_dim3A_3 : vector<16xf32> to vector<1x16xf32>
    tpu.vector_store %arg6[%swap3A_304, %swap3A_305], %swap3A_308 {strides = array<i32>} : memref<80x16xf32, #tpu.memory_space<vmem>>, vector<1x16xf32>,
    %swap3A_309 = arith.constant 51 : i32
    %swap3A_310 = arith.index_cast %swap3A_309 : i32 to index
    %swap3A_311 = arith.constant 0 : index
    %swap3A_312 = tpu.vector_load %arg6[%swap3A_310, %swap3A_311] {strides = array<i32>} : memref<80x16xf32, #tpu.memory_space<vmem>>, vector<1x16xf32>,
    %swap3A_313 = vector.shape_cast %swap3A_312 : vector<1x16xf32> to vector<16xf32>
    %swap3A_314 = vector.shape_cast %broadcast_in_dim3A_3 : vector<16xf32> to vector<1x16xf32>
    tpu.vector_store %arg6[%swap3A_310, %swap3A_311], %swap3A_314 {strides = array<i32>} : memref<80x16xf32, #tpu.memory_space<vmem>>, vector<1x16xf32>,
    %swap3A_315 = arith.constant 52 : i32
    %swap3A_316 = arith.index_cast %swap3A_315 : i32 to index
    %swap3A_317 = arith.constant 0 : index
    %swap3A_318 = tpu.vector_load %arg6[%swap3A_316, %swap3A_317] {strides = array<i32>} : memref<80x16xf32, #tpu.memory_space<vmem>>, vector<1x16xf32>,
    %swap3A_319 = vector.shape_cast %swap3A_318 : vector<1x16xf32> to vector<16xf32>
    %swap3A_320 = vector.shape_cast %broadcast_in_dim3A_3 : vector<16xf32> to vector<1x16xf32>
    tpu.vector_store %arg6[%swap3A_316, %swap3A_317], %swap3A_320 {strides = array<i32>} : memref<80x16xf32, #tpu.memory_space<vmem>>, vector<1x16xf32>,
    %swap3A_321 = arith.constant 53 : i32
    %swap3A_322 = arith.index_cast %swap3A_321 : i32 to index
    %swap3A_323 = arith.constant 0 : index
    %swap3A_324 = tpu.vector_load %arg6[%swap3A_322, %swap3A_323] {strides = array<i32>} : memref<80x16xf32, #tpu.memory_space<vmem>>, vector<1x16xf32>,
    %swap3A_325 = vector.shape_cast %swap3A_324 : vector<1x16xf32> to vector<16xf32>
    %swap3A_326 = vector.shape_cast %broadcast_in_dim3A_3 : vector<16xf32> to vector<1x16xf32>
    tpu.vector_store %arg6[%swap3A_322, %swap3A_323], %swap3A_326 {strides = array<i32>} : memref<80x16xf32, #tpu.memory_space<vmem>>, vector<1x16xf32>,
    %swap3A_327 = arith.constant 54 : i32
    %swap3A_328 = arith.index_cast %swap3A_327 : i32 to index
    %swap3A_329 = arith.constant 0 : index
    %swap3A_330 = tpu.vector_load %arg6[%swap3A_328, %swap3A_329] {strides = array<i32>} : memref<80x16xf32, #tpu.memory_space<vmem>>, vector<1x16xf32>,
    %swap3A_331 = vector.shape_cast %swap3A_330 : vector<1x16xf32> to vector<16xf32>
    %swap3A_332 = vector.shape_cast %broadcast_in_dim3A_3 : vector<16xf32> to vector<1x16xf32>
    tpu.vector_store %arg6[%swap3A_328, %swap3A_329], %swap3A_332 {strides = array<i32>} : memref<80x16xf32, #tpu.memory_space<vmem>>, vector<1x16xf32>,
    %swap3A_333 = arith.constant 55 : i32
    %swap3A_334 = arith.index_cast %swap3A_333 : i32 to index
    %swap3A_335 = arith.constant 0 : index
    %swap3A_336 = tpu.vector_load %arg6[%swap3A_334, %swap3A_335] {strides = array<i32>} : memref<80x16xf32, #tpu.memory_space<vmem>>, vector<1x16xf32>,
    %swap3A_337 = vector.shape_cast %swap3A_336 : vector<1x16xf32> to vector<16xf32>
    %swap3A_338 = vector.shape_cast %broadcast_in_dim3A_3 : vector<16xf32> to vector<1x16xf32>
    tpu.vector_store %arg6[%swap3A_334, %swap3A_335], %swap3A_338 {strides = array<i32>} : memref<80x16xf32, #tpu.memory_space<vmem>>, vector<1x16xf32>,
    %swap3A_339 = arith.constant 56 : i32
    %swap3A_340 = arith.index_cast %swap3A_339 : i32 to index
    %swap3A_341 = arith.constant 0 : index
    %swap3A_342 = tpu.vector_load %arg6[%swap3A_340, %swap3A_341] {strides = array<i32>} : memref<80x16xf32, #tpu.memory_space<vmem>>, vector<1x16xf32>,
    %swap3A_343 = vector.shape_cast %swap3A_342 : vector<1x16xf32> to vector<16xf32>
    %swap3A_344 = vector.shape_cast %broadcast_in_dim3A_3 : vector<16xf32> to vector<1x16xf32>
    tpu.vector_store %arg6[%swap3A_340, %swap3A_341], %swap3A_344 {strides = array<i32>} : memref<80x16xf32, #tpu.memory_space<vmem>>, vector<1x16xf32>,
    %swap3A_345 = arith.constant 57 : i32
    %swap3A_346 = arith.index_cast %swap3A_345 : i32 to index
    %swap3A_347 = arith.constant 0 : index
    %swap3A_348 = tpu.vector_load %arg6[%swap3A_346, %swap3A_347] {strides = array<i32>} : memref<80x16xf32, #tpu.memory_space<vmem>>, vector<1x16xf32>,
    %swap3A_349 = vector.shape_cast %swap3A_348 : vector<1x16xf32> to vector<16xf32>
    %swap3A_350 = vector.shape_cast %broadcast_in_dim3A_3 : vector<16xf32> to vector<1x16xf32>
    tpu.vector_store %arg6[%swap3A_346, %swap3A_347], %swap3A_350 {strides = array<i32>} : memref<80x16xf32, #tpu.memory_space<vmem>>, vector<1x16xf32>,
    %swap3A_351 = arith.constant 58 : i32
    %swap3A_352 = arith.index_cast %swap3A_351 : i32 to index
    %swap3A_353 = arith.constant 0 : index
    %swap3A_354 = tpu.vector_load %arg6[%swap3A_352, %swap3A_353] {strides = array<i32>} : memref<80x16xf32, #tpu.memory_space<vmem>>, vector<1x16xf32>,
    %swap3A_355 = vector.shape_cast %swap3A_354 : vector<1x16xf32> to vector<16xf32>
    %swap3A_356 = vector.shape_cast %broadcast_in_dim3A_3 : vector<16xf32> to vector<1x16xf32>
    tpu.vector_store %arg6[%swap3A_352, %swap3A_353], %swap3A_356 {strides = array<i32>} : memref<80x16xf32, #tpu.memory_space<vmem>>, vector<1x16xf32>,
    %swap3A_357 = arith.constant 59 : i32
    %swap3A_358 = arith.index_cast %swap3A_357 : i32 to index
    %swap3A_359 = arith.constant 0 : index
    %swap3A_360 = tpu.vector_load %arg6[%swap3A_358, %swap3A_359] {strides = array<i32>} : memref<80x16xf32, #tpu.memory_space<vmem>>, vector<1x16xf32>,
    %swap3A_361 = vector.shape_cast %swap3A_360 : vector<1x16xf32> to vector<16xf32>
    %swap3A_362 = vector.shape_cast %broadcast_in_dim3A_3 : vector<16xf32> to vector<1x16xf32>
    tpu.vector_store %arg6[%swap3A_358, %swap3A_359], %swap3A_362 {strides = array<i32>} : memref<80x16xf32, #tpu.memory_space<vmem>>, vector<1x16xf32>,
    %swap3A_363 = arith.constant 60 : i32
    %swap3A_364 = arith.index_cast %swap3A_363 : i32 to index
    %swap3A_365 = arith.constant 0 : index
    %swap3A_366 = tpu.vector_load %arg6[%swap3A_364, %swap3A_365] {strides = array<i32>} : memref<80x16xf32, #tpu.memory_space<vmem>>, vector<1x16xf32>,
    %swap3A_367 = vector.shape_cast %swap3A_366 : vector<1x16xf32> to vector<16xf32>
    %swap3A_368 = vector.shape_cast %broadcast_in_dim3A_3 : vector<16xf32> to vector<1x16xf32>
    tpu.vector_store %arg6[%swap3A_364, %swap3A_365], %swap3A_368 {strides = array<i32>} : memref<80x16xf32, #tpu.memory_space<vmem>>, vector<1x16xf32>,
    %swap3A_369 = arith.constant 61 : i32
    %swap3A_370 = arith.index_cast %swap3A_369 : i32 to index
    %swap3A_371 = arith.constant 0 : index
    %swap3A_372 = tpu.vector_load %arg6[%swap3A_370, %swap3A_371] {strides = array<i32>} : memref<80x16xf32, #tpu.memory_space<vmem>>, vector<1x16xf32>,
    %swap3A_373 = vector.shape_cast %swap3A_372 : vector<1x16xf32> to vector<16xf32>
    %swap3A_374 = vector.shape_cast %broadcast_in_dim3A_3 : vector<16xf32> to vector<1x16xf32>
    tpu.vector_store %arg6[%swap3A_370, %swap3A_371], %swap3A_374 {strides = array<i32>} : memref<80x16xf32, #tpu.memory_space<vmem>>, vector<1x16xf32>,
    %swap3A_375 = arith.constant 62 : i32
    %swap3A_376 = arith.index_cast %swap3A_375 : i32 to index
    %swap3A_377 = arith.constant 0 : index
    %swap3A_378 = tpu.vector_load %arg6[%swap3A_376, %swap3A_377] {strides = array<i32>} : memref<80x16xf32, #tpu.memory_space<vmem>>, vector<1x16xf32>,
    %swap3A_379 = vector.shape_cast %swap3A_378 : vector<1x16xf32> to vector<16xf32>
    %swap3A_380 = vector.shape_cast %broadcast_in_dim3A_3 : vector<16xf32> to vector<1x16xf32>
    tpu.vector_store %arg6[%swap3A_376, %swap3A_377], %swap3A_380 {strides = array<i32>} : memref<80x16xf32, #tpu.memory_space<vmem>>, vector<1x16xf32>,
    %swap3A_381 = arith.constant 63 : i32
    %swap3A_382 = arith.index_cast %swap3A_381 : i32 to index
    %swap3A_383 = arith.constant 0 : index
    %swap3A_384 = tpu.vector_load %arg6[%swap3A_382, %swap3A_383] {strides = array<i32>} : memref<80x16xf32, #tpu.memory_space<vmem>>, vector<1x16xf32>,
    %swap3A_385 = vector.shape_cast %swap3A_384 : vector<1x16xf32> to vector<16xf32>
    %swap3A_386 = vector.shape_cast %broadcast_in_dim3A_3 : vector<16xf32> to vector<1x16xf32>
    tpu.vector_store %arg6[%swap3A_382, %swap3A_383], %swap3A_386 {strides = array<i32>} : memref<80x16xf32, #tpu.memory_space<vmem>>, vector<1x16xf32>,
    %swap3A_387 = arith.constant 64 : i32
    %swap3A_388 = arith.index_cast %swap3A_387 : i32 to index
    %swap3A_389 = arith.constant 0 : index
    %swap3A_390 = tpu.vector_load %arg6[%swap3A_388, %swap3A_389] {strides = array<i32>} : memref<80x16xf32, #tpu.memory_space<vmem>>, vector<1x16xf32>,
    %swap3A_391 = vector.shape_cast %swap3A_390 : vector<1x16xf32> to vector<16xf32>
    %swap3A_392 = vector.shape_cast %broadcast_in_dim3A_3 : vector<16xf32> to vector<1x16xf32>
    tpu.vector_store %arg6[%swap3A_388, %swap3A_389], %swap3A_392 {strides = array<i32>} : memref<80x16xf32, #tpu.memory_space<vmem>>, vector<1x16xf32>,
    %swap3A_393 = arith.constant 65 : i32
    %swap3A_394 = arith.index_cast %swap3A_393 : i32 to index
    %swap3A_395 = arith.constant 0 : index
    %swap3A_396 = tpu.vector_load %arg6[%swap3A_394, %swap3A_395] {strides = array<i32>} : memref<80x16xf32, #tpu.memory_space<vmem>>, vector<1x16xf32>,
    %swap3A_397 = vector.shape_cast %swap3A_396 : vector<1x16xf32> to vector<16xf32>
    %swap3A_398 = vector.shape_cast %broadcast_in_dim3A_3 : vector<16xf32> to vector<1x16xf32>
    tpu.vector_store %arg6[%swap3A_394, %swap3A_395], %swap3A_398 {strides = array<i32>} : memref<80x16xf32, #tpu.memory_space<vmem>>, vector<1x16xf32>,
    %swap3A_399 = arith.constant 66 : i32
    %swap3A_400 = arith.index_cast %swap3A_399 : i32 to index
    %swap3A_401 = arith.constant 0 : index
    %swap3A_402 = tpu.vector_load %arg6[%swap3A_400, %swap3A_401] {strides = array<i32>} : memref<80x16xf32, #tpu.memory_space<vmem>>, vector<1x16xf32>,
    %swap3A_403 = vector.shape_cast %swap3A_402 : vector<1x16xf32> to vector<16xf32>
    %swap3A_404 = vector.shape_cast %broadcast_in_dim3A_3 : vector<16xf32> to vector<1x16xf32>
    tpu.vector_store %arg6[%swap3A_400, %swap3A_401], %swap3A_404 {strides = array<i32>} : memref<80x16xf32, #tpu.memory_space<vmem>>, vector<1x16xf32>,
    %swap3A_405 = arith.constant 67 : i32
    %swap3A_406 = arith.index_cast %swap3A_405 : i32 to index
    %swap3A_407 = arith.constant 0 : index
    %swap3A_408 = tpu.vector_load %arg6[%swap3A_406, %swap3A_407] {strides = array<i32>} : memref<80x16xf32, #tpu.memory_space<vmem>>, vector<1x16xf32>,
    %swap3A_409 = vector.shape_cast %swap3A_408 : vector<1x16xf32> to vector<16xf32>
    %swap3A_410 = vector.shape_cast %broadcast_in_dim3A_3 : vector<16xf32> to vector<1x16xf32>
    tpu.vector_store %arg6[%swap3A_406, %swap3A_407], %swap3A_410 {strides = array<i32>} : memref<80x16xf32, #tpu.memory_space<vmem>>, vector<1x16xf32>,
    %swap3A_411 = arith.constant 68 : i32
    %swap3A_412 = arith.index_cast %swap3A_411 : i32 to index
    %swap3A_413 = arith.constant 0 : index
    %swap3A_414 = tpu.vector_load %arg6[%swap3A_412, %swap3A_413] {strides = array<i32>} : memref<80x16xf32, #tpu.memory_space<vmem>>, vector<1x16xf32>,
    %swap3A_415 = vector.shape_cast %swap3A_414 : vector<1x16xf32> to vector<16xf32>
    %swap3A_416 = vector.shape_cast %broadcast_in_dim3A_3 : vector<16xf32> to vector<1x16xf32>
    tpu.vector_store %arg6[%swap3A_412, %swap3A_413], %swap3A_416 {strides = array<i32>} : memref<80x16xf32, #tpu.memory_space<vmem>>, vector<1x16xf32>,
    %swap3A_417 = arith.constant 69 : i32
    %swap3A_418 = arith.index_cast %swap3A_417 : i32 to index
    %swap3A_419 = arith.constant 0 : index
    %swap3A_420 = tpu.vector_load %arg6[%swap3A_418, %swap3A_419] {strides = array<i32>} : memref<80x16xf32, #tpu.memory_space<vmem>>, vector<1x16xf32>,
    %swap3A_421 = vector.shape_cast %swap3A_420 : vector<1x16xf32> to vector<16xf32>
    %swap3A_422 = vector.shape_cast %broadcast_in_dim3A_3 : vector<16xf32> to vector<1x16xf32>
    tpu.vector_store %arg6[%swap3A_418, %swap3A_419], %swap3A_422 {strides = array<i32>} : memref<80x16xf32, #tpu.memory_space<vmem>>, vector<1x16xf32>,
    %swap3A_423 = arith.constant 70 : i32
    %swap3A_424 = arith.index_cast %swap3A_423 : i32 to index
    %swap3A_425 = arith.constant 0 : index
    %swap3A_426 = tpu.vector_load %arg6[%swap3A_424, %swap3A_425] {strides = array<i32>} : memref<80x16xf32, #tpu.memory_space<vmem>>, vector<1x16xf32>,
    %swap3A_427 = vector.shape_cast %swap3A_426 : vector<1x16xf32> to vector<16xf32>
    %swap3A_428 = vector.shape_cast %broadcast_in_dim3A_3 : vector<16xf32> to vector<1x16xf32>
    tpu.vector_store %arg6[%swap3A_424, %swap3A_425], %swap3A_428 {strides = array<i32>} : memref<80x16xf32, #tpu.memory_space<vmem>>, vector<1x16xf32>,
    %swap3A_429 = arith.constant 71 : i32
    %swap3A_430 = arith.index_cast %swap3A_429 : i32 to index
    %swap3A_431 = arith.constant 0 : index
    %swap3A_432 = tpu.vector_load %arg6[%swap3A_430, %swap3A_431] {strides = array<i32>} : memref<80x16xf32, #tpu.memory_space<vmem>>, vector<1x16xf32>,
    %swap3A_433 = vector.shape_cast %swap3A_432 : vector<1x16xf32> to vector<16xf32>
    %swap3A_434 = vector.shape_cast %broadcast_in_dim3A_3 : vector<16xf32> to vector<1x16xf32>
    tpu.vector_store %arg6[%swap3A_430, %swap3A_431], %swap3A_434 {strides = array<i32>} : memref<80x16xf32, #tpu.memory_space<vmem>>, vector<1x16xf32>,
    %swap3A_435 = arith.constant 72 : i32
    %swap3A_436 = arith.index_cast %swap3A_435 : i32 to index
    %swap3A_437 = arith.constant 0 : index
    %swap3A_438 = tpu.vector_load %arg6[%swap3A_436, %swap3A_437] {strides = array<i32>} : memref<80x16xf32, #tpu.memory_space<vmem>>, vector<1x16xf32>,
    %swap3A_439 = vector.shape_cast %swap3A_438 : vector<1x16xf32> to vector<16xf32>
    %swap3A_440 = vector.shape_cast %broadcast_in_dim3A_3 : vector<16xf32> to vector<1x16xf32>
    tpu.vector_store %arg6[%swap3A_436, %swap3A_437], %swap3A_440 {strides = array<i32>} : memref<80x16xf32, #tpu.memory_space<vmem>>, vector<1x16xf32>,
    %swap3A_441 = arith.constant 73 : i32
    %swap3A_442 = arith.index_cast %swap3A_441 : i32 to index
    %swap3A_443 = arith.constant 0 : index
    %swap3A_444 = tpu.vector_load %arg6[%swap3A_442, %swap3A_443] {strides = array<i32>} : memref<80x16xf32, #tpu.memory_space<vmem>>, vector<1x16xf32>,
    %swap3A_445 = vector.shape_cast %swap3A_444 : vector<1x16xf32> to vector<16xf32>
    %swap3A_446 = vector.shape_cast %broadcast_in_dim3A_3 : vector<16xf32> to vector<1x16xf32>
    tpu.vector_store %arg6[%swap3A_442, %swap3A_443], %swap3A_446 {strides = array<i32>} : memref<80x16xf32, #tpu.memory_space<vmem>>, vector<1x16xf32>,
    %swap3A_447 = arith.constant 74 : i32
    %swap3A_448 = arith.index_cast %swap3A_447 : i32 to index
    %swap3A_449 = arith.constant 0 : index
    %swap3A_450 = tpu.vector_load %arg6[%swap3A_448, %swap3A_449] {strides = array<i32>} : memref<80x16xf32, #tpu.memory_space<vmem>>, vector<1x16xf32>,
    %swap3A_451 = vector.shape_cast %swap3A_450 : vector<1x16xf32> to vector<16xf32>
    %swap3A_452 = vector.shape_cast %broadcast_in_dim3A_3 : vector<16xf32> to vector<1x16xf32>
    tpu.vector_store %arg6[%swap3A_448, %swap3A_449], %swap3A_452 {strides = array<i32>} : memref<80x16xf32, #tpu.memory_space<vmem>>, vector<1x16xf32>,
    %swap3A_453 = arith.constant 75 : i32
    %swap3A_454 = arith.index_cast %swap3A_453 : i32 to index
    %swap3A_455 = arith.constant 0 : index
    %swap3A_456 = tpu.vector_load %arg6[%swap3A_454, %swap3A_455] {strides = array<i32>} : memref<80x16xf32, #tpu.memory_space<vmem>>, vector<1x16xf32>,
    %swap3A_457 = vector.shape_cast %swap3A_456 : vector<1x16xf32> to vector<16xf32>
    %swap3A_458 = vector.shape_cast %broadcast_in_dim3A_3 : vector<16xf32> to vector<1x16xf32>
    tpu.vector_store %arg6[%swap3A_454, %swap3A_455], %swap3A_458 {strides = array<i32>} : memref<80x16xf32, #tpu.memory_space<vmem>>, vector<1x16xf32>,
    %swap3A_459 = arith.constant 76 : i32
    %swap3A_460 = arith.index_cast %swap3A_459 : i32 to index
    %swap3A_461 = arith.constant 0 : index
    %swap3A_462 = tpu.vector_load %arg6[%swap3A_460, %swap3A_461] {strides = array<i32>} : memref<80x16xf32, #tpu.memory_space<vmem>>, vector<1x16xf32>,
    %swap3A_463 = vector.shape_cast %swap3A_462 : vector<1x16xf32> to vector<16xf32>
    %swap3A_464 = vector.shape_cast %broadcast_in_dim3A_3 : vector<16xf32> to vector<1x16xf32>
    tpu.vector_store %arg6[%swap3A_460, %swap3A_461], %swap3A_464 {strides = array<i32>} : memref<80x16xf32, #tpu.memory_space<vmem>>, vector<1x16xf32>,
    %swap3A_465 = arith.constant 77 : i32
    %swap3A_466 = arith.index_cast %swap3A_465 : i32 to index
    %swap3A_467 = arith.constant 0 : index
    %swap3A_468 = tpu.vector_load %arg6[%swap3A_466, %swap3A_467] {strides = array<i32>} : memref<80x16xf32, #tpu.memory_space<vmem>>, vector<1x16xf32>,
    %swap3A_469 = vector.shape_cast %swap3A_468 : vector<1x16xf32> to vector<16xf32>
    %swap3A_470 = vector.shape_cast %broadcast_in_dim3A_3 : vector<16xf32> to vector<1x16xf32>
    tpu.vector_store %arg6[%swap3A_466, %swap3A_467], %swap3A_470 {strides = array<i32>} : memref<80x16xf32, #tpu.memory_space<vmem>>, vector<1x16xf32>,
    %swap3A_471 = arith.constant 78 : i32
    %swap3A_472 = arith.index_cast %swap3A_471 : i32 to index
    %swap3A_473 = arith.constant 0 : index
    %swap3A_474 = tpu.vector_load %arg6[%swap3A_472, %swap3A_473] {strides = array<i32>} : memref<80x16xf32, #tpu.memory_space<vmem>>, vector<1x16xf32>,
    %swap3A_475 = vector.shape_cast %swap3A_474 : vector<1x16xf32> to vector<16xf32>
    %swap3A_476 = vector.shape_cast %broadcast_in_dim3A_3 : vector<16xf32> to vector<1x16xf32>
    tpu.vector_store %arg6[%swap3A_472, %swap3A_473], %swap3A_476 {strides = array<i32>} : memref<80x16xf32, #tpu.memory_space<vmem>>, vector<1x16xf32>,
    %swap3A_477 = arith.constant 79 : i32
    %swap3A_478 = arith.index_cast %swap3A_477 : i32 to index
    %swap3A_479 = arith.constant 0 : index
    %swap3A_480 = tpu.vector_load %arg6[%swap3A_478, %swap3A_479] {strides = array<i32>} : memref<80x16xf32, #tpu.memory_space<vmem>>, vector<1x16xf32>,
    %swap3A_481 = vector.shape_cast %swap3A_480 : vector<1x16xf32> to vector<16xf32>
    %swap3A_482 = vector.shape_cast %broadcast_in_dim3A_3 : vector<16xf32> to vector<1x16xf32>
    tpu.vector_store %arg6[%swap3A_478, %swap3A_479], %swap3A_482 {strides = array<i32>} : memref<80x16xf32, #tpu.memory_space<vmem>>, vector<1x16xf32>,
    %barrier3A = arith.constant 0 : index
    tpu.barrier barrier_id(%barrier3A)
    %mul3A_483 = arith.constant 10000 : i32
    %mul3A_484 = arith.muli %add3A, %mul3A_483 : i32
    %scan3A = arith.constant 0 : i32
    %scan3A_485 = arith.constant 0 : i32
    %scan3A_486 = arith.constant 125 : i32
    %scan3A_487 = arith.addi %scan3A_485, %scan3A_486 : i32
    %scan3A_488 = arith.constant 1 : i32
    scf.for %scan3A_491 = %scan3A_485 to %scan3A_487 step %scan3A_488  : i32 {
      %mul3A_492 = arith.constant 80 : i32
      %mul3A_493 = arith.muli %scan3A_491, %mul3A_492 : i32
      %add3A_494 = arith.addi %mul3A_484, %mul3A_493 : i32
      "tpu.region"() ({
        %run_scoped3A = tpu.sem_alloc : memref<!tpu.dma_semaphore, #tpu.memory_space<semaphore_mem>>
        %dma_start3A = tpu.memref_slice %arg2[%add3A_494] : memref<320000xi32, #tpu.memory_space<hbm>> -> memref<80xi32, #tpu.memory_space<hbm>>
        %dma_start3A_495 = tpu.memref_slice %arg2[%add3A_494] : memref<320000xi32, #tpu.memory_space<hbm>> -> memref<80xi32, #tpu.memory_space<hbm>>
        tpu.enqueue_dma source(%dma_start3A_495 : memref<80xi32, #tpu.memory_space<hbm>>) target(%arg5 : memref<80xi32, #tpu.memory_space<vmem>>) target_semaphore(%run_scoped3A : memref<!tpu.dma_semaphore, #tpu.memory_space<semaphore_mem>>)
        %dma_wait3A = tpu.memref_slice %arg2[%add3A_494] : memref<320000xi32, #tpu.memory_space<hbm>> -> memref<80xi32, #tpu.memory_space<hbm>>
        %dma_wait3A_496 = tpu.memref_slice %arg2[%add3A_494] : memref<320000xi32, #tpu.memory_space<hbm>> -> memref<80xi32, #tpu.memory_space<hbm>>
        tpu.wait_dma2 semaphore(%run_scoped3A : memref<!tpu.dma_semaphore, #tpu.memory_space<semaphore_mem>>) src(%dma_wait3A_496 : memref<80xi32, #tpu.memory_space<hbm>>) dst(%arg5 : memref<80xi32, #tpu.memory_space<vmem>>)
        tpu.yield
      }) : () -> ()
      "tpu.region"() ({
        %run_scoped3A = tpu.sem_alloc : memref<!tpu.dma_semaphore, #tpu.memory_space<semaphore_mem>>
        %dma_start3A = arith.constant 0 : i32
        %dma_start3A_495 = arith.constant 0 : i32
        %dma_start3A_496 = tpu.memref_slice %arg7[%dma_start3A, %dma_start3A_495] : memref<10240x16xf32, #tpu.memory_space<vmem_shared>> -> memref<10240x16xf32, #tpu.memory_space<vmem_shared>>
        tpu.enqueue_indirect_dma source(%arg6 : memref<80x16xf32, #tpu.memory_space<vmem>>) target(%dma_start3A_496 : memref<10240x16xf32, #tpu.memory_space<vmem_shared>>) offsets(%arg5 : memref<80xi32, #tpu.memory_space<vmem>>) semaphore(%run_scoped3A : memref<!tpu.dma_semaphore, #tpu.memory_space<semaphore_mem>>) {add = true}
        %dma_wait3A = arith.constant 0 : i32
        %dma_wait3A_497 = arith.constant 0 : i32
        %dma_wait3A_498 = tpu.memref_slice %arg7[%dma_wait3A, %dma_wait3A_497] : memref<10240x16xf32, #tpu.memory_space<vmem_shared>> -> memref<10240x16xf32, #tpu.memory_space<vmem_shared>>
        tpu.wait_indirect_dma semaphore(%run_scoped3A : memref<!tpu.dma_semaphore, #tpu.memory_space<semaphore_mem>>) src(%arg6 : memref<80x16xf32, #tpu.memory_space<vmem>>) dst(%dma_wait3A_498 : memref<10240x16xf32, #tpu.memory_space<vmem_shared>>)
        tpu.yield
      }) : () -> ()
    }
    %scan3A_489 = arith.constant 125 : i32
    %barrier3A_490 = arith.constant 0 : index
    tpu.barrier barrier_id(%barrier3A_490)
    "tpu.region"() ({
      %run_scoped3A = tpu.sem_alloc : memref<!tpu.dma_semaphore, #tpu.memory_space<semaphore_mem>>
      %dma_start3A = arith.constant 0 : i32
      %dma_start3A_491 = tpu.memref_slice %arg4[%arg0, %mul3A_2, %dma_start3A] : memref<2x10240x16xf32, #tpu.memory_space<hbm>> -> memref<1x640x16xf32, #tpu.memory_space<hbm>>
      %dma_start3A_492 = tpu.memref_squeeze %dma_start3A_491 : memref<1x640x16xf32, #tpu.memory_space<hbm>> -> memref<640x16xf32, #tpu.memory_space<hbm>>
      %dma_start3A_493 = arith.constant 0 : i32
      %dma_start3A_494 = tpu.memref_slice %arg7[%mul3A_2, %dma_start3A_493] : memref<10240x16xf32, #tpu.memory_space<vmem_shared>> -> memref<640x16xf32, #tpu.memory_space<vmem_shared>>
      tpu.enqueue_dma source(%dma_start3A_494 : memref<640x16xf32, #tpu.memory_space<vmem_shared>>) target(%dma_start3A_492 : memref<640x16xf32, #tpu.memory_space<hbm>>) target_semaphore(%run_scoped3A : memref<!tpu.dma_semaphore, #tpu.memory_space<semaphore_mem>>)
      %dma_wait3A = arith.constant 0 : i32
      %dma_wait3A_495 = tpu.memref_slice %arg4[%arg0, %mul3A_2, %dma_wait3A] : memref<2x10240x16xf32, #tpu.memory_space<hbm>> -> memref<1x640x16xf32, #tpu.memory_space<hbm>>
      %dma_wait3A_496 = tpu.memref_squeeze %dma_wait3A_495 : memref<1x640x16xf32, #tpu.memory_space<hbm>> -> memref<640x16xf32, #tpu.memory_space<hbm>>
      %dma_wait3A_497 = arith.constant 0 : i32
      %dma_wait3A_498 = tpu.memref_slice %arg7[%mul3A_2, %dma_wait3A_497] : memref<10240x16xf32, #tpu.memory_space<vmem_shared>> -> memref<640x16xf32, #tpu.memory_space<vmem_shared>>
      tpu.wait_dma2 semaphore(%run_scoped3A : memref<!tpu.dma_semaphore, #tpu.memory_space<semaphore_mem>>) src(%dma_wait3A_498 : memref<640x16xf32, #tpu.memory_space<vmem_shared>>) dst(%dma_wait3A_496 : memref<640x16xf32, #tpu.memory_space<hbm>>)
      tpu.yield
    }) : () -> ()
    return
  }
}

#map = affine_map<(d0, d1) -> (0, 0)>
#map1 = affine_map<(d0, d1) -> (0)>
#map2 = affine_map<(d0, d1) -> (0, 0, 0)>
module attributes {stable_mosaic.version = 14 : i64} {
  func.func @edge_pass(%arg0: i32, %arg1: i32, %arg2: memref<10240x16xf32, #tpu.memory_space<hbm>>, %arg3: memref<320000xi32, #tpu.memory_space<hbm>>, %arg4: memref<320000xi32, #tpu.memory_space<hbm>>, %arg5: memref<10240x16xf32, #tpu.memory_space<hbm>>, %arg6: memref<2x10240x16xf32, #tpu.memory_space<hbm>>, %arg7: memref<80xi32, #tpu.memory_space<vmem>>, %arg8: memref<80xi32, #tpu.memory_space<vmem>>, %arg9: memref<80x16xf32, #tpu.memory_space<vmem>>, %arg10: memref<10240x16xf32, #tpu.memory_space<vmem_shared>>, %arg11: memref<!tpu.dma_semaphore, #tpu.memory_space<semaphore_mem>>) attributes {dimension_semantics = [#tpu.dimension_semantics<core_parallel>, #tpu.dimension_semantics<subcore_parallel>], iteration_bounds = array<i64: 2, 16>, scalar_prefetch = 0 : i64, scratch_operands = 5 : i64, tpu.core_type = #tpu.core_type<sc_vector_subcore>, window_params = [{transform_indices = #map}, {transform_indices = #map1}, {transform_indices = #map1}, {transform_indices = #map}, {transform_indices = #map2}]} {
    %mul3A = arith.constant 16 : i32
    %mul3A_0 = arith.muli %arg0, %mul3A : i32
    %add3A = arith.addi %mul3A_0, %arg1 : i32
    %mul3A_1 = arith.constant 640 : i32
    %mul3A_2 = arith.muli %arg1, %mul3A_1 : i32
    "tpu.region"() ({
      %run_scoped3A = tpu.sem_alloc : memref<!tpu.dma_semaphore, #tpu.memory_space<semaphore_mem>>
      %dma_start3A = arith.constant 0 : i32
      %dma_start3A_11 = tpu.memref_slice %arg10[%mul3A_2, %dma_start3A] : memref<10240x16xf32, #tpu.memory_space<vmem_shared>> -> memref<640x16xf32, #tpu.memory_space<vmem_shared>>
      %dma_start3A_12 = arith.constant 0 : i32
      %dma_start3A_13 = tpu.memref_slice %arg5[%mul3A_2, %dma_start3A_12] : memref<10240x16xf32, #tpu.memory_space<hbm>> -> memref<640x16xf32, #tpu.memory_space<hbm>>
      tpu.enqueue_dma source(%dma_start3A_13 : memref<640x16xf32, #tpu.memory_space<hbm>>) target(%dma_start3A_11 : memref<640x16xf32, #tpu.memory_space<vmem_shared>>) target_semaphore(%run_scoped3A : memref<!tpu.dma_semaphore, #tpu.memory_space<semaphore_mem>>)
      %dma_wait3A = arith.constant 0 : i32
      %dma_wait3A_14 = tpu.memref_slice %arg10[%mul3A_2, %dma_wait3A] : memref<10240x16xf32, #tpu.memory_space<vmem_shared>> -> memref<640x16xf32, #tpu.memory_space<vmem_shared>>
      %dma_wait3A_15 = arith.constant 0 : i32
      %dma_wait3A_16 = tpu.memref_slice %arg5[%mul3A_2, %dma_wait3A_15] : memref<10240x16xf32, #tpu.memory_space<hbm>> -> memref<640x16xf32, #tpu.memory_space<hbm>>
      tpu.wait_dma2 semaphore(%run_scoped3A : memref<!tpu.dma_semaphore, #tpu.memory_space<semaphore_mem>>) src(%dma_wait3A_16 : memref<640x16xf32, #tpu.memory_space<hbm>>) dst(%dma_wait3A_14 : memref<640x16xf32, #tpu.memory_space<vmem_shared>>)
      tpu.yield
    }) : () -> ()
    %barrier3A = arith.constant 0 : index
    tpu.barrier barrier_id(%barrier3A)
    %mul3A_3 = arith.constant 10000 : i32
    %mul3A_4 = arith.muli %add3A, %mul3A_3 : i32
    %scan3A = arith.constant 0 : i32
    %scan3A_5 = arith.constant 0 : i32
    %scan3A_6 = arith.constant 125 : i32
    %scan3A_7 = arith.addi %scan3A_5, %scan3A_6 : i32
    %scan3A_8 = arith.constant 1 : i32
    scf.for %scan3A_11 = %scan3A_5 to %scan3A_7 step %scan3A_8  : i32 {
      %mul3A_12 = arith.constant 80 : i32
      %mul3A_13 = arith.muli %scan3A_11, %mul3A_12 : i32
      %add3A_14 = arith.addi %mul3A_4, %mul3A_13 : i32
      "tpu.region"() ({
        %run_scoped3A = tpu.sem_alloc : memref<!tpu.dma_semaphore, #tpu.memory_space<semaphore_mem>>
        %dma_start3A_19 = tpu.memref_slice %arg3[%add3A_14] : memref<320000xi32, #tpu.memory_space<hbm>> -> memref<80xi32, #tpu.memory_space<hbm>>
        %dma_start3A_20 = tpu.memref_slice %arg3[%add3A_14] : memref<320000xi32, #tpu.memory_space<hbm>> -> memref<80xi32, #tpu.memory_space<hbm>>
        tpu.enqueue_dma source(%dma_start3A_20 : memref<80xi32, #tpu.memory_space<hbm>>) target(%arg7 : memref<80xi32, #tpu.memory_space<vmem>>) target_semaphore(%run_scoped3A : memref<!tpu.dma_semaphore, #tpu.memory_space<semaphore_mem>>)
        %dma_wait3A_21 = tpu.memref_slice %arg3[%add3A_14] : memref<320000xi32, #tpu.memory_space<hbm>> -> memref<80xi32, #tpu.memory_space<hbm>>
        %dma_wait3A_22 = tpu.memref_slice %arg3[%add3A_14] : memref<320000xi32, #tpu.memory_space<hbm>> -> memref<80xi32, #tpu.memory_space<hbm>>
        tpu.wait_dma2 semaphore(%run_scoped3A : memref<!tpu.dma_semaphore, #tpu.memory_space<semaphore_mem>>) src(%dma_wait3A_22 : memref<80xi32, #tpu.memory_space<hbm>>) dst(%arg7 : memref<80xi32, #tpu.memory_space<vmem>>)
        tpu.yield
      }) : () -> ()
      "tpu.region"() ({
        %run_scoped3A = tpu.sem_alloc : memref<!tpu.dma_semaphore, #tpu.memory_space<semaphore_mem>>
        %dma_start3A_19 = tpu.memref_slice %arg4[%add3A_14] : memref<320000xi32, #tpu.memory_space<hbm>> -> memref<80xi32, #tpu.memory_space<hbm>>
        %dma_start3A_20 = tpu.memref_slice %arg4[%add3A_14] : memref<320000xi32, #tpu.memory_space<hbm>> -> memref<80xi32, #tpu.memory_space<hbm>>
        tpu.enqueue_dma source(%dma_start3A_20 : memref<80xi32, #tpu.memory_space<hbm>>) target(%arg8 : memref<80xi32, #tpu.memory_space<vmem>>) target_semaphore(%run_scoped3A : memref<!tpu.dma_semaphore, #tpu.memory_space<semaphore_mem>>)
        %dma_wait3A_21 = tpu.memref_slice %arg4[%add3A_14] : memref<320000xi32, #tpu.memory_space<hbm>> -> memref<80xi32, #tpu.memory_space<hbm>>
        %dma_wait3A_22 = tpu.memref_slice %arg4[%add3A_14] : memref<320000xi32, #tpu.memory_space<hbm>> -> memref<80xi32, #tpu.memory_space<hbm>>
        tpu.wait_dma2 semaphore(%run_scoped3A : memref<!tpu.dma_semaphore, #tpu.memory_space<semaphore_mem>>) src(%dma_wait3A_22 : memref<80xi32, #tpu.memory_space<hbm>>) dst(%arg8 : memref<80xi32, #tpu.memory_space<vmem>>)
        tpu.yield
      }) : () -> ()
      %dma_start3A = arith.constant 0 : i32
      %dma_start3A_15 = arith.constant 0 : i32
      %dma_start3A_16 = tpu.memref_slice %arg2[%dma_start3A, %dma_start3A_15] : memref<10240x16xf32, #tpu.memory_space<hbm>> -> memref<10240x16xf32, #tpu.memory_space<hbm>>
      tpu.enqueue_indirect_dma source(%dma_start3A_16 : memref<10240x16xf32, #tpu.memory_space<hbm>>) target(%arg9 : memref<80x16xf32, #tpu.memory_space<vmem>>) offsets(%arg7 : memref<80xi32, #tpu.memory_space<vmem>>) semaphore(%arg11 : memref<!tpu.dma_semaphore, #tpu.memory_space<semaphore_mem>>)
      %dma_wait3A = arith.constant 0 : i32
      %dma_wait3A_17 = arith.constant 0 : i32
      %dma_wait3A_18 = tpu.memref_slice %arg2[%dma_wait3A, %dma_wait3A_17] : memref<10240x16xf32, #tpu.memory_space<hbm>> -> memref<10240x16xf32, #tpu.memory_space<hbm>>
      tpu.wait_indirect_dma semaphore(%arg11 : memref<!tpu.dma_semaphore, #tpu.memory_space<semaphore_mem>>) src(%dma_wait3A_18 : memref<10240x16xf32, #tpu.memory_space<hbm>>) dst(%arg9 : memref<80x16xf32, #tpu.memory_space<vmem>>)
      "tpu.region"() ({
        %run_scoped3A = tpu.sem_alloc : memref<!tpu.dma_semaphore, #tpu.memory_space<semaphore_mem>>
        %dma_start3A_19 = arith.constant 0 : i32
        %dma_start3A_20 = arith.constant 0 : i32
        %dma_start3A_21 = tpu.memref_slice %arg10[%dma_start3A_19, %dma_start3A_20] : memref<10240x16xf32, #tpu.memory_space<vmem_shared>> -> memref<10240x16xf32, #tpu.memory_space<vmem_shared>>
        tpu.enqueue_indirect_dma source(%arg9 : memref<80x16xf32, #tpu.memory_space<vmem>>) target(%dma_start3A_21 : memref<10240x16xf32, #tpu.memory_space<vmem_shared>>) offsets(%arg8 : memref<80xi32, #tpu.memory_space<vmem>>) semaphore(%run_scoped3A : memref<!tpu.dma_semaphore, #tpu.memory_space<semaphore_mem>>) {add = true}
        %dma_wait3A_22 = arith.constant 0 : i32
        %dma_wait3A_23 = arith.constant 0 : i32
        %dma_wait3A_24 = tpu.memref_slice %arg10[%dma_wait3A_22, %dma_wait3A_23] : memref<10240x16xf32, #tpu.memory_space<vmem_shared>> -> memref<10240x16xf32, #tpu.memory_space<vmem_shared>>
        tpu.wait_indirect_dma semaphore(%run_scoped3A : memref<!tpu.dma_semaphore, #tpu.memory_space<semaphore_mem>>) src(%arg9 : memref<80x16xf32, #tpu.memory_space<vmem>>) dst(%dma_wait3A_24 : memref<10240x16xf32, #tpu.memory_space<vmem_shared>>)
        tpu.yield
      }) : () -> ()
    }
    %scan3A_9 = arith.constant 125 : i32
    %barrier3A_10 = arith.constant 0 : index
    tpu.barrier barrier_id(%barrier3A_10)
    "tpu.region"() ({
      %run_scoped3A = tpu.sem_alloc : memref<!tpu.dma_semaphore, #tpu.memory_space<semaphore_mem>>
      %dma_start3A = arith.constant 0 : i32
      %dma_start3A_11 = tpu.memref_slice %arg6[%arg0, %mul3A_2, %dma_start3A] : memref<2x10240x16xf32, #tpu.memory_space<hbm>> -> memref<1x640x16xf32, #tpu.memory_space<hbm>>
      %dma_start3A_12 = tpu.memref_squeeze %dma_start3A_11 : memref<1x640x16xf32, #tpu.memory_space<hbm>> -> memref<640x16xf32, #tpu.memory_space<hbm>>
      %dma_start3A_13 = arith.constant 0 : i32
      %dma_start3A_14 = tpu.memref_slice %arg10[%mul3A_2, %dma_start3A_13] : memref<10240x16xf32, #tpu.memory_space<vmem_shared>> -> memref<640x16xf32, #tpu.memory_space<vmem_shared>>
      tpu.enqueue_dma source(%dma_start3A_14 : memref<640x16xf32, #tpu.memory_space<vmem_shared>>) target(%dma_start3A_12 : memref<640x16xf32, #tpu.memory_space<hbm>>) target_semaphore(%run_scoped3A : memref<!tpu.dma_semaphore, #tpu.memory_space<semaphore_mem>>)
      %dma_wait3A = arith.constant 0 : i32
      %dma_wait3A_15 = tpu.memref_slice %arg6[%arg0, %mul3A_2, %dma_wait3A] : memref<2x10240x16xf32, #tpu.memory_space<hbm>> -> memref<1x640x16xf32, #tpu.memory_space<hbm>>
      %dma_wait3A_16 = tpu.memref_squeeze %dma_wait3A_15 : memref<1x640x16xf32, #tpu.memory_space<hbm>> -> memref<640x16xf32, #tpu.memory_space<hbm>>
      %dma_wait3A_17 = arith.constant 0 : i32
      %dma_wait3A_18 = tpu.memref_slice %arg10[%mul3A_2, %dma_wait3A_17] : memref<10240x16xf32, #tpu.memory_space<vmem_shared>> -> memref<640x16xf32, #tpu.memory_space<vmem_shared>>
      tpu.wait_dma2 semaphore(%run_scoped3A : memref<!tpu.dma_semaphore, #tpu.memory_space<semaphore_mem>>) src(%dma_wait3A_18 : memref<640x16xf32, #tpu.memory_space<vmem_shared>>) dst(%dma_wait3A_16 : memref<640x16xf32, #tpu.memory_space<hbm>>)
      tpu.yield
    }) : () -> ()
    return
  }
}

#map = affine_map<(d0, d1) -> (0, 0)>
#map1 = affine_map<(d0, d1) -> (0)>
#map2 = affine_map<(d0, d1) -> (0, 0, 0)>
module attributes {stable_mosaic.version = 14 : i64} {
  func.func @edge_pass(%arg0: i32, %arg1: i32, %arg2: memref<10240x8xf32, #tpu.memory_space<hbm>>, %arg3: memref<320000xi32, #tpu.memory_space<hbm>>, %arg4: memref<320000xi32, #tpu.memory_space<hbm>>, %arg5: memref<10240x8xf32, #tpu.memory_space<hbm>>, %arg6: memref<2x10240x8xf32, #tpu.memory_space<hbm>>, %arg7: memref<80xi32, #tpu.memory_space<vmem>>, %arg8: memref<80xi32, #tpu.memory_space<vmem>>, %arg9: memref<80x8xf32, #tpu.memory_space<vmem>>, %arg10: memref<10240x8xf32, #tpu.memory_space<vmem_shared>>, %arg11: memref<!tpu.dma_semaphore, #tpu.memory_space<semaphore_mem>>) attributes {dimension_semantics = [#tpu.dimension_semantics<core_parallel>, #tpu.dimension_semantics<subcore_parallel>], iteration_bounds = array<i64: 2, 16>, scalar_prefetch = 0 : i64, scratch_operands = 5 : i64, tpu.core_type = #tpu.core_type<sc_vector_subcore>, window_params = [{transform_indices = #map}, {transform_indices = #map1}, {transform_indices = #map1}, {transform_indices = #map}, {transform_indices = #map2}]} {
    %mul3A = arith.constant 16 : i32
    %mul3A_0 = arith.muli %arg0, %mul3A : i32
    %add3A = arith.addi %mul3A_0, %arg1 : i32
    %mul3A_1 = arith.constant 640 : i32
    %mul3A_2 = arith.muli %arg1, %mul3A_1 : i32
    "tpu.region"() ({
      %run_scoped3A = tpu.sem_alloc : memref<!tpu.dma_semaphore, #tpu.memory_space<semaphore_mem>>
      %dma_start3A = arith.constant 0 : i32
      %dma_start3A_11 = tpu.memref_slice %arg10[%mul3A_2, %dma_start3A] : memref<10240x8xf32, #tpu.memory_space<vmem_shared>> -> memref<640x8xf32, #tpu.memory_space<vmem_shared>>
      %dma_start3A_12 = arith.constant 0 : i32
      %dma_start3A_13 = tpu.memref_slice %arg5[%mul3A_2, %dma_start3A_12] : memref<10240x8xf32, #tpu.memory_space<hbm>> -> memref<640x8xf32, #tpu.memory_space<hbm>>
      tpu.enqueue_dma source(%dma_start3A_13 : memref<640x8xf32, #tpu.memory_space<hbm>>) target(%dma_start3A_11 : memref<640x8xf32, #tpu.memory_space<vmem_shared>>) target_semaphore(%run_scoped3A : memref<!tpu.dma_semaphore, #tpu.memory_space<semaphore_mem>>)
      %dma_wait3A = arith.constant 0 : i32
      %dma_wait3A_14 = tpu.memref_slice %arg10[%mul3A_2, %dma_wait3A] : memref<10240x8xf32, #tpu.memory_space<vmem_shared>> -> memref<640x8xf32, #tpu.memory_space<vmem_shared>>
      %dma_wait3A_15 = arith.constant 0 : i32
      %dma_wait3A_16 = tpu.memref_slice %arg5[%mul3A_2, %dma_wait3A_15] : memref<10240x8xf32, #tpu.memory_space<hbm>> -> memref<640x8xf32, #tpu.memory_space<hbm>>
      tpu.wait_dma2 semaphore(%run_scoped3A : memref<!tpu.dma_semaphore, #tpu.memory_space<semaphore_mem>>) src(%dma_wait3A_16 : memref<640x8xf32, #tpu.memory_space<hbm>>) dst(%dma_wait3A_14 : memref<640x8xf32, #tpu.memory_space<vmem_shared>>)
      tpu.yield
    }) : () -> ()
    %barrier3A = arith.constant 0 : index
    tpu.barrier barrier_id(%barrier3A)
    %mul3A_3 = arith.constant 10000 : i32
    %mul3A_4 = arith.muli %add3A, %mul3A_3 : i32
    %scan3A = arith.constant 0 : i32
    %scan3A_5 = arith.constant 0 : i32
    %scan3A_6 = arith.constant 125 : i32
    %scan3A_7 = arith.addi %scan3A_5, %scan3A_6 : i32
    %scan3A_8 = arith.constant 1 : i32
    scf.for %scan3A_11 = %scan3A_5 to %scan3A_7 step %scan3A_8  : i32 {
      %mul3A_12 = arith.constant 80 : i32
      %mul3A_13 = arith.muli %scan3A_11, %mul3A_12 : i32
      %add3A_14 = arith.addi %mul3A_4, %mul3A_13 : i32
      "tpu.region"() ({
        %run_scoped3A = tpu.sem_alloc : memref<!tpu.dma_semaphore, #tpu.memory_space<semaphore_mem>>
        %dma_start3A_19 = tpu.memref_slice %arg3[%add3A_14] : memref<320000xi32, #tpu.memory_space<hbm>> -> memref<80xi32, #tpu.memory_space<hbm>>
        %dma_start3A_20 = tpu.memref_slice %arg3[%add3A_14] : memref<320000xi32, #tpu.memory_space<hbm>> -> memref<80xi32, #tpu.memory_space<hbm>>
        tpu.enqueue_dma source(%dma_start3A_20 : memref<80xi32, #tpu.memory_space<hbm>>) target(%arg7 : memref<80xi32, #tpu.memory_space<vmem>>) target_semaphore(%run_scoped3A : memref<!tpu.dma_semaphore, #tpu.memory_space<semaphore_mem>>)
        %dma_wait3A_21 = tpu.memref_slice %arg3[%add3A_14] : memref<320000xi32, #tpu.memory_space<hbm>> -> memref<80xi32, #tpu.memory_space<hbm>>
        %dma_wait3A_22 = tpu.memref_slice %arg3[%add3A_14] : memref<320000xi32, #tpu.memory_space<hbm>> -> memref<80xi32, #tpu.memory_space<hbm>>
        tpu.wait_dma2 semaphore(%run_scoped3A : memref<!tpu.dma_semaphore, #tpu.memory_space<semaphore_mem>>) src(%dma_wait3A_22 : memref<80xi32, #tpu.memory_space<hbm>>) dst(%arg7 : memref<80xi32, #tpu.memory_space<vmem>>)
        tpu.yield
      }) : () -> ()
      "tpu.region"() ({
        %run_scoped3A = tpu.sem_alloc : memref<!tpu.dma_semaphore, #tpu.memory_space<semaphore_mem>>
        %dma_start3A_19 = tpu.memref_slice %arg4[%add3A_14] : memref<320000xi32, #tpu.memory_space<hbm>> -> memref<80xi32, #tpu.memory_space<hbm>>
        %dma_start3A_20 = tpu.memref_slice %arg4[%add3A_14] : memref<320000xi32, #tpu.memory_space<hbm>> -> memref<80xi32, #tpu.memory_space<hbm>>
        tpu.enqueue_dma source(%dma_start3A_20 : memref<80xi32, #tpu.memory_space<hbm>>) target(%arg8 : memref<80xi32, #tpu.memory_space<vmem>>) target_semaphore(%run_scoped3A : memref<!tpu.dma_semaphore, #tpu.memory_space<semaphore_mem>>)
        %dma_wait3A_21 = tpu.memref_slice %arg4[%add3A_14] : memref<320000xi32, #tpu.memory_space<hbm>> -> memref<80xi32, #tpu.memory_space<hbm>>
        %dma_wait3A_22 = tpu.memref_slice %arg4[%add3A_14] : memref<320000xi32, #tpu.memory_space<hbm>> -> memref<80xi32, #tpu.memory_space<hbm>>
        tpu.wait_dma2 semaphore(%run_scoped3A : memref<!tpu.dma_semaphore, #tpu.memory_space<semaphore_mem>>) src(%dma_wait3A_22 : memref<80xi32, #tpu.memory_space<hbm>>) dst(%arg8 : memref<80xi32, #tpu.memory_space<vmem>>)
        tpu.yield
      }) : () -> ()
      %dma_start3A = arith.constant 0 : i32
      %dma_start3A_15 = arith.constant 0 : i32
      %dma_start3A_16 = tpu.memref_slice %arg2[%dma_start3A, %dma_start3A_15] : memref<10240x8xf32, #tpu.memory_space<hbm>> -> memref<10240x8xf32, #tpu.memory_space<hbm>>
      tpu.enqueue_indirect_dma source(%dma_start3A_16 : memref<10240x8xf32, #tpu.memory_space<hbm>>) target(%arg9 : memref<80x8xf32, #tpu.memory_space<vmem>>) offsets(%arg7 : memref<80xi32, #tpu.memory_space<vmem>>) semaphore(%arg11 : memref<!tpu.dma_semaphore, #tpu.memory_space<semaphore_mem>>)
      %dma_wait3A = arith.constant 0 : i32
      %dma_wait3A_17 = arith.constant 0 : i32
      %dma_wait3A_18 = tpu.memref_slice %arg2[%dma_wait3A, %dma_wait3A_17] : memref<10240x8xf32, #tpu.memory_space<hbm>> -> memref<10240x8xf32, #tpu.memory_space<hbm>>
      tpu.wait_indirect_dma semaphore(%arg11 : memref<!tpu.dma_semaphore, #tpu.memory_space<semaphore_mem>>) src(%dma_wait3A_18 : memref<10240x8xf32, #tpu.memory_space<hbm>>) dst(%arg9 : memref<80x8xf32, #tpu.memory_space<vmem>>)
      "tpu.region"() ({
        %run_scoped3A = tpu.sem_alloc : memref<!tpu.dma_semaphore, #tpu.memory_space<semaphore_mem>>
        %dma_start3A_19 = arith.constant 0 : i32
        %dma_start3A_20 = arith.constant 0 : i32
        %dma_start3A_21 = tpu.memref_slice %arg10[%dma_start3A_19, %dma_start3A_20] : memref<10240x8xf32, #tpu.memory_space<vmem_shared>> -> memref<10240x8xf32, #tpu.memory_space<vmem_shared>>
        tpu.enqueue_indirect_dma source(%arg9 : memref<80x8xf32, #tpu.memory_space<vmem>>) target(%dma_start3A_21 : memref<10240x8xf32, #tpu.memory_space<vmem_shared>>) offsets(%arg8 : memref<80xi32, #tpu.memory_space<vmem>>) semaphore(%run_scoped3A : memref<!tpu.dma_semaphore, #tpu.memory_space<semaphore_mem>>) {add = true}
        %dma_wait3A_22 = arith.constant 0 : i32
        %dma_wait3A_23 = arith.constant 0 : i32
        %dma_wait3A_24 = tpu.memref_slice %arg10[%dma_wait3A_22, %dma_wait3A_23] : memref<10240x8xf32, #tpu.memory_space<vmem_shared>> -> memref<10240x8xf32, #tpu.memory_space<vmem_shared>>
        tpu.wait_indirect_dma semaphore(%run_scoped3A : memref<!tpu.dma_semaphore, #tpu.memory_space<semaphore_mem>>) src(%arg9 : memref<80x8xf32, #tpu.memory_space<vmem>>) dst(%dma_wait3A_24 : memref<10240x8xf32, #tpu.memory_space<vmem_shared>>)
        tpu.yield
      }) : () -> ()
    }
    %scan3A_9 = arith.constant 125 : i32
    %barrier3A_10 = arith.constant 0 : index
    tpu.barrier barrier_id(%barrier3A_10)
    "tpu.region"() ({
      %run_scoped3A = tpu.sem_alloc : memref<!tpu.dma_semaphore, #tpu.memory_space<semaphore_mem>>
      %dma_start3A = arith.constant 0 : i32
      %dma_start3A_11 = tpu.memref_slice %arg6[%arg0, %mul3A_2, %dma_start3A] : memref<2x10240x8xf32, #tpu.memory_space<hbm>> -> memref<1x640x8xf32, #tpu.memory_space<hbm>>
      %dma_start3A_12 = tpu.memref_squeeze %dma_start3A_11 : memref<1x640x8xf32, #tpu.memory_space<hbm>> -> memref<640x8xf32, #tpu.memory_space<hbm>>
      %dma_start3A_13 = arith.constant 0 : i32
      %dma_start3A_14 = tpu.memref_slice %arg10[%mul3A_2, %dma_start3A_13] : memref<10240x8xf32, #tpu.memory_space<vmem_shared>> -> memref<640x8xf32, #tpu.memory_space<vmem_shared>>
      tpu.enqueue_dma source(%dma_start3A_14 : memref<640x8xf32, #tpu.memory_space<vmem_shared>>) target(%dma_start3A_12 : memref<640x8xf32, #tpu.memory_space<hbm>>) target_semaphore(%run_scoped3A : memref<!tpu.dma_semaphore, #tpu.memory_space<semaphore_mem>>)
      %dma_wait3A = arith.constant 0 : i32
      %dma_wait3A_15 = tpu.memref_slice %arg6[%arg0, %mul3A_2, %dma_wait3A] : memref<2x10240x8xf32, #tpu.memory_space<hbm>> -> memref<1x640x8xf32, #tpu.memory_space<hbm>>
      %dma_wait3A_16 = tpu.memref_squeeze %dma_wait3A_15 : memref<1x640x8xf32, #tpu.memory_space<hbm>> -> memref<640x8xf32, #tpu.memory_space<hbm>>
      %dma_wait3A_17 = arith.constant 0 : i32
      %dma_wait3A_18 = tpu.memref_slice %arg10[%mul3A_2, %dma_wait3A_17] : memref<10240x8xf32, #tpu.memory_space<vmem_shared>> -> memref<640x8xf32, #tpu.memory_space<vmem_shared>>
      tpu.wait_dma2 semaphore(%run_scoped3A : memref<!tpu.dma_semaphore, #tpu.memory_space<semaphore_mem>>) src(%dma_wait3A_18 : memref<640x8xf32, #tpu.memory_space<vmem_shared>>) dst(%dma_wait3A_16 : memref<640x8xf32, #tpu.memory_space<hbm>>)
      tpu.yield
    }) : () -> ()
    return
  }
}

module attributes {stable_mosaic.version = 14 : i64} {
  func.func @_tc1_body(%arg0: memref<10000x128xf32, #tpu.memory_space<vmem>>, %arg1: memref<128x16xf32, #tpu.memory_space<vmem>>, %arg2: memref<2x10000x16xf32, #tpu.memory_space<vmem>>, %arg3: memref<10000x16xf32, #tpu.memory_space<vmem>>, %arg4: memref<10000x16xf32, #tpu.memory_space<vmem>>) attributes {dimension_semantics = [], scalar_prefetch = 0 : i64, scratch_operands = 0 : i64, tpu.core_type = #tpu.core_type<tc>} {
    %get3A = arith.constant 0 : index
    %get3A_0 = arith.constant 0 : index
    %get3A_1 = arith.constant 0 : index
    %get3A_2 = vector.load %arg2[%get3A, %get3A_0, %get3A_1] : memref<2x10000x16xf32, #tpu.memory_space<vmem>>, vector<1x10000x16xf32>
    %get3A_3 = vector.shape_cast %get3A_2 : vector<1x10000x16xf32> to vector<10000x16xf32>
    %get3A_4 = arith.constant 1 : index
    %get3A_5 = arith.constant 0 : index
    %get3A_6 = arith.constant 0 : index
    %get3A_7 = vector.load %arg2[%get3A_4, %get3A_5, %get3A_6] : memref<2x10000x16xf32, #tpu.memory_space<vmem>>, vector<1x10000x16xf32>
    %get3A_8 = vector.shape_cast %get3A_7 : vector<1x10000x16xf32> to vector<10000x16xf32>
    %add3A = arith.addf %get3A_3, %get3A_8 : vector<10000x16xf32>
    %add3A_9 = arith.constant 1.000000e+00 : f32
    %add3A_10 = vector.broadcast %add3A_9 : f32 to vector<10000x16xf32>
    %add3A_11 = arith.addf %add3A, %add3A_10 : vector<10000x16xf32>
    %rsqrt3A = math.rsqrt %add3A_11 : vector<10000x16xf32>
    %swap3A = arith.constant 0 : index
    %swap3A_12 = arith.constant 0 : index
    %swap3A_13 = vector.load %arg4[%swap3A, %swap3A_12] : memref<10000x16xf32, #tpu.memory_space<vmem>>, vector<10000x16xf32>
    tpu.vector_store %arg4[%swap3A, %swap3A_12], %rsqrt3A {strides = array<i32>} : memref<10000x16xf32, #tpu.memory_space<vmem>>, vector<10000x16xf32>,
    %get3A_14 = arith.constant 0 : index
    %get3A_15 = arith.constant 0 : index
    %get3A_16 = vector.load %arg0[%get3A_14, %get3A_15] : memref<10000x128xf32, #tpu.memory_space<vmem>>, vector<10000x128xf32>
    %get3A_17 = arith.constant 0 : index
    %get3A_18 = arith.constant 0 : index
    %get3A_19 = vector.load %arg1[%get3A_17, %get3A_18] : memref<128x16xf32, #tpu.memory_space<vmem>>, vector<128x16xf32>
    %dot_general3A = arith.constant dense<0.000000e+00> : vector<10000x16xf32>
    %dot_general3A_20 = tpu.matmul %get3A_16, %get3A_19, %dot_general3A {dimension_numbers = #tpu.dot_dimension_numbers<[1], [0], [0], [1], [0, 0, 1, 1], [], []>, transpose_lhs_hint = false} : vector<10000x128xf32>, vector<128x16xf32>, vector<10000x16xf32> -> vector<10000x16xf32>
    %mul3A = arith.mulf %dot_general3A_20, %rsqrt3A : vector<10000x16xf32>
    %swap3A_21 = arith.constant 0 : index
    %swap3A_22 = arith.constant 0 : index
    %swap3A_23 = vector.load %arg3[%swap3A_21, %swap3A_22] : memref<10000x16xf32, #tpu.memory_space<vmem>>, vector<10000x16xf32>
    tpu.vector_store %arg3[%swap3A_21, %swap3A_22], %mul3A {strides = array<i32>} : memref<10000x16xf32, #tpu.memory_space<vmem>>, vector<10000x16xf32>,
    return
  }
}

module attributes {stable_mosaic.version = 14 : i64} {
  func.func @_tc2_body(%arg0: memref<2x10000x16xf32, #tpu.memory_space<vmem>>, %arg1: memref<10000x16xf32, #tpu.memory_space<vmem>>, %arg2: memref<10000x16xf32, #tpu.memory_space<vmem>>, %arg3: memref<1x16xf32, #tpu.memory_space<vmem>>, %arg4: memref<16x8xf32, #tpu.memory_space<vmem>>, %arg5: memref<10000x8xf32, #tpu.memory_space<vmem>>) attributes {dimension_semantics = [], scalar_prefetch = 0 : i64, scratch_operands = 0 : i64, tpu.core_type = #tpu.core_type<tc>} {
    %get3A = arith.constant 0 : index
    %get3A_0 = arith.constant 0 : index
    %get3A_1 = vector.load %arg2[%get3A, %get3A_0] : memref<10000x16xf32, #tpu.memory_space<vmem>>, vector<10000x16xf32>
    %get3A_2 = arith.constant 0 : index
    %get3A_3 = arith.constant 0 : index
    %get3A_4 = arith.constant 0 : index
    %get3A_5 = vector.load %arg0[%get3A_2, %get3A_3, %get3A_4] : memref<2x10000x16xf32, #tpu.memory_space<vmem>>, vector<1x10000x16xf32>
    %get3A_6 = vector.shape_cast %get3A_5 : vector<1x10000x16xf32> to vector<10000x16xf32>
    %get3A_7 = arith.constant 1 : index
    %get3A_8 = arith.constant 0 : index
    %get3A_9 = arith.constant 0 : index
    %get3A_10 = vector.load %arg0[%get3A_7, %get3A_8, %get3A_9] : memref<2x10000x16xf32, #tpu.memory_space<vmem>>, vector<1x10000x16xf32>
    %get3A_11 = vector.shape_cast %get3A_10 : vector<1x10000x16xf32> to vector<10000x16xf32>
    %add3A = arith.addf %get3A_6, %get3A_11 : vector<10000x16xf32>
    %get3A_12 = arith.constant 0 : index
    %get3A_13 = arith.constant 0 : index
    %get3A_14 = vector.load %arg1[%get3A_12, %get3A_13] : memref<10000x16xf32, #tpu.memory_space<vmem>>, vector<10000x16xf32>
    %add3A_15 = arith.addf %add3A, %get3A_14 : vector<10000x16xf32>
    %mul3A = arith.mulf %add3A_15, %get3A_1 : vector<10000x16xf32>
    %get3A_16 = arith.constant 0 : index
    %get3A_17 = arith.constant 0 : index
    %get3A_18 = vector.load %arg3[%get3A_16, %get3A_17] : memref<1x16xf32, #tpu.memory_space<vmem>>, vector<1x16xf32>
    %add3A_19 = vector.broadcast %get3A_18 : vector<1x16xf32> to vector<10000x16xf32>
    %add3A_20 = arith.addf %mul3A, %add3A_19 : vector<10000x16xf32>
    %max3A = arith.constant 0.000000e+00 : f32
    %max3A_21 = vector.broadcast %max3A : f32 to vector<10000x16xf32>
    %max3A_22 = arith.maximumf %add3A_20, %max3A_21 : vector<10000x16xf32>
    %get3A_23 = arith.constant 0 : index
    %get3A_24 = arith.constant 0 : index
    %get3A_25 = vector.load %arg4[%get3A_23, %get3A_24] : memref<16x8xf32, #tpu.memory_space<vmem>>, vector<16x8xf32>
    %dot_general3A = arith.constant dense<0.000000e+00> : vector<10000x8xf32>
    %dot_general3A_26 = tpu.matmul %max3A_22, %get3A_25, %dot_general3A {dimension_numbers = #tpu.dot_dimension_numbers<[1], [0], [0], [1], [0, 0, 1, 1], [], []>, transpose_lhs_hint = false} : vector<10000x16xf32>, vector<16x8xf32>, vector<10000x8xf32> -> vector<10000x8xf32>
    %slice3A = vector.extract_strided_slice %get3A_1 {offsets = [0, 0], sizes = [10000, 8], strides = [1, 1]} : vector<10000x16xf32> to vector<10000x8xf32>
    %mul3A_27 = arith.mulf %dot_general3A_26, %slice3A : vector<10000x8xf32>
    %swap3A = arith.constant 0 : index
    %swap3A_28 = arith.constant 0 : index
    %swap3A_29 = vector.load %arg5[%swap3A, %swap3A_28] : memref<10000x8xf32, #tpu.memory_space<vmem>>, vector<10000x8xf32>
    tpu.vector_store %arg5[%swap3A, %swap3A_28], %mul3A_27 {strides = array<i32>} : memref<10000x8xf32, #tpu.memory_space<vmem>>, vector<10000x8xf32>,
    return
  }
}

module attributes {stable_mosaic.version = 14 : i64} {
  func.func @_tc3_body(%arg0: memref<2x10000x8xf32, #tpu.memory_space<vmem>>, %arg1: memref<10000x8xf32, #tpu.memory_space<vmem>>, %arg2: memref<10000x16xf32, #tpu.memory_space<vmem>>, %arg3: memref<1x8xf32, #tpu.memory_space<vmem>>, %arg4: memref<8x128xf32, #tpu.memory_space<vmem>>, %arg5: memref<1x128xf32, #tpu.memory_space<vmem>>, %arg6: memref<10000x128xf32, #tpu.memory_space<vmem>>) attributes {dimension_semantics = [], scalar_prefetch = 0 : i64, scratch_operands = 0 : i64, tpu.core_type = #tpu.core_type<tc>} {
    %get3A = arith.constant 0 : index
    %get3A_0 = arith.constant 0 : index
    %get3A_1 = vector.load %arg2[%get3A, %get3A_0] : memref<10000x16xf32, #tpu.memory_space<vmem>>, vector<10000x16xf32>
    %slice3A = vector.extract_strided_slice %get3A_1 {offsets = [0, 0], sizes = [10000, 8], strides = [1, 1]} : vector<10000x16xf32> to vector<10000x8xf32>
    %get3A_2 = arith.constant 0 : index
    %get3A_3 = arith.constant 0 : index
    %get3A_4 = arith.constant 0 : index
    %get3A_5 = vector.load %arg0[%get3A_2, %get3A_3, %get3A_4] : memref<2x10000x8xf32, #tpu.memory_space<vmem>>, vector<1x10000x8xf32>
    %get3A_6 = vector.shape_cast %get3A_5 : vector<1x10000x8xf32> to vector<10000x8xf32>
    %get3A_7 = arith.constant 1 : index
    %get3A_8 = arith.constant 0 : index
    %get3A_9 = arith.constant 0 : index
    %get3A_10 = vector.load %arg0[%get3A_7, %get3A_8, %get3A_9] : memref<2x10000x8xf32, #tpu.memory_space<vmem>>, vector<1x10000x8xf32>
    %get3A_11 = vector.shape_cast %get3A_10 : vector<1x10000x8xf32> to vector<10000x8xf32>
    %add3A = arith.addf %get3A_6, %get3A_11 : vector<10000x8xf32>
    %get3A_12 = arith.constant 0 : index
    %get3A_13 = arith.constant 0 : index
    %get3A_14 = vector.load %arg1[%get3A_12, %get3A_13] : memref<10000x8xf32, #tpu.memory_space<vmem>>, vector<10000x8xf32>
    %add3A_15 = arith.addf %add3A, %get3A_14 : vector<10000x8xf32>
    %mul3A = arith.mulf %add3A_15, %slice3A : vector<10000x8xf32>
    %get3A_16 = arith.constant 0 : index
    %get3A_17 = arith.constant 0 : index
    %get3A_18 = vector.load %arg3[%get3A_16, %get3A_17] : memref<1x8xf32, #tpu.memory_space<vmem>>, vector<1x8xf32>
    %add3A_19 = vector.broadcast %get3A_18 : vector<1x8xf32> to vector<10000x8xf32>
    %add3A_20 = arith.addf %mul3A, %add3A_19 : vector<10000x8xf32>
    %max3A = arith.constant 0.000000e+00 : f32
    %max3A_21 = vector.broadcast %max3A : f32 to vector<10000x8xf32>
    %max3A_22 = arith.maximumf %add3A_20, %max3A_21 : vector<10000x8xf32>
    %get3A_23 = arith.constant 0 : index
    %get3A_24 = arith.constant 0 : index
    %get3A_25 = vector.load %arg4[%get3A_23, %get3A_24] : memref<8x128xf32, #tpu.memory_space<vmem>>, vector<8x128xf32>
    %dot_general3A = arith.constant dense<0.000000e+00> : vector<10000x128xf32>
    %dot_general3A_26 = tpu.matmul %max3A_22, %get3A_25, %dot_general3A {dimension_numbers = #tpu.dot_dimension_numbers<[1], [0], [0], [1], [0, 0, 1, 1], [], []>, transpose_lhs_hint = false} : vector<10000x8xf32>, vector<8x128xf32>, vector<10000x128xf32> -> vector<10000x128xf32>
    %get3A_27 = arith.constant 0 : index
    %get3A_28 = arith.constant 0 : index
    %get3A_29 = vector.load %arg5[%get3A_27, %get3A_28] : memref<1x128xf32, #tpu.memory_space<vmem>>, vector<1x128xf32>
    %add3A_30 = vector.broadcast %get3A_29 : vector<1x128xf32> to vector<10000x128xf32>
    %add3A_31 = arith.addf %dot_general3A_26, %add3A_30 : vector<10000x128xf32>
    %swap3A = arith.constant 0 : index
    %swap3A_32 = arith.constant 0 : index
    %swap3A_33 = vector.load %arg6[%swap3A, %swap3A_32] : memref<10000x128xf32, #tpu.memory_space<vmem>>, vector<10000x128xf32>
    tpu.vector_store %arg6[%swap3A, %swap3A_32], %add3A_31 {strides = array<i32>} : memref<10000x128xf32, #tpu.memory_space<vmem>>, vector<10000x128xf32>,
    return
  }
}

</mosaic_0001>

<sc_bundles>
// kernel: kernel.11.cloned.1.call-start
scs
__scs_entry_jumppad:
0x0: {  	(pc) =	sbr.rel $0x88, $3  }
0x1: {  	(tag) =	ssettag $0x0;
	lr =	simm.s32 $0x1  }
0x2: {  	[smem:$0x3F99] =	sst lr;
	_ =	strace $0xD0000000  }
0x3: {  	_ = 	snop  }
0x4: {  	_ = 	snop  }
0x5: {  	_ = 	snop  }
0x6: {  	_ = 	snop  }
0x7: {  	_ = 	snop  }
__scs_overlays_trampoline_lowered:
0x8: {  	[smem:$0x3FA8] =	sst s0  }
0x9: {  	[smem:$0x3FA9] =	sst s1  }
0xa: {  	[smem:$0x3FAA] =	sst s2  }
0xb: {  	[smem:$0x3FAB] =	sst s3  }
0xc: {  	[smem:$0x3FAC] =	sst s4  }
0xd: {  	[smem:$0x3FAD] =	sst s5  }
0xe: {  	[smem:$0x3FAE] =	sst s6  }
0xf: {  	[smem:$0x3FAF] =	sst s7  }
0x10: {  	[smem:$0x3FB0] =	sst s8  }
0x11: {  	[smem:$0x3FB1] =	sst s9;
	s0 =	simm.s32 @!p0 $0x0  }
0x12: {  	s1 =	sld [smem:$0x3F97];
	s0 =	simm.s32 @p0 $0x1  }
0x13: {  	[smem:$0x3FB2] =	sst s0;
	s0 =	simm.s32 @!p1 $0x0  }
0x14: {  	s2 =	sld [smem:$0x3F96];
	s0 =	simm.s32 @p1 $0x1  }
0x15: {  	[smem:$0x3FB3] =	sst s0;
	s0 =	simm.s32 @!p2 $0x0  }
0x16: {  	s3 =	sld [smem:$0x3FDB];
	s0 =	simm.s32 @p2 $0x1  }
0x17: {  	s4 =	simm.s32 $0x1BF5;
	[smem:$0x3FB5] =	sst s0  }
0x18: {  	s0 =	sld [smem:$0x3F98];
	_ =	swait.ge [sflag:s4], $0x0  }
0x19: {  	s7 =	sld [smem:$0x3F99]  }
0x1a: {  	s8 =	sadd.s32 $0xFFFFE003, lr  }
0x1b: {  	s9 =	sadd.s32 $0xFFFFFEF7, lr;
	s5 =	simm.s32 $0xFFFFFFFF;
	p2 =	slt.u32 s8, $0xFFFFF086  }
0x1c: {  	p1 =	slt.u32 s9, $0xF7A;
	s5 =	simm.s32 @!p2 $0x0  }
0x1d: {  	s5 =	simm.s32 @p1 $0x1;
	p0 =	seq.s32 s7, s2  }
0x1e: {  	s7 =	smul.u32 @!p0 $0xF7A, s2;
	p2 =	seq.s32 @!p0 s5, $0x0  }
0x1f: {  	s9 =	smul.u32 $0xF7A, s1;
	s8 =	simm.s32 @!p0 $0x1BF5;
	p2 =	por !p2, p0  }
0x20: {  	[sflag:s8] =	ssyncset.s32 @!p0 $0xFFFFF086;
	s6 =	sadd.s32 @!p0 s3, s7;
	s7 =	simm.s32 @!p0 $0x108  }
0x21: {  	s3 =	sadd.s32 s3, s9;
	s6 =	sadd.s32 @!p0 $0x88, s6;
	s7 =	simm.s32 @p2 $0x1082  }
0x22: {  	[simem:s7], [sflag:s8] =	dma.local @!p0 [hbm:s6], $0xF7A  }
0x23: {  	s9 =	sor.u32 $0xD0000000, s2;
	s6 =	simm.s32 $0x108;
	_ =	swait.ge @!p0 [sflag:s8], $0x0  }
0x24: {  	s3 =	sadd.s32 $0x88, s3;
	s6 =	simm.s32 @!p1 $0x1082;
	[sflag:s4] =	ssyncset.s32 $0xFFFFF086  }
0x25: {  	[simem:s6], [sflag:s4] =	dma.local [hbm:s3], $0xF7A  }
0x26: {  	[smem:$0x3F99] =	sst s1;
	(tag) =	ssettag s2;
	_ =	strace s9  }
0x27: {  	s1 =	sld [smem:$0x3FA9]  }
0x28: {  	s2 =	sld [smem:$0x3FAA]  }
0x29: {  	s4 =	sld [smem:$0x3FAC]  }
0x2a: {  	p0 =	seq.s32 s5, $0x0;
	s5 =	sld [smem:$0x3FAD]  }
0x2b: {  	s6 =	sld [smem:$0x3FAE]  }
0x2c: {  	s7 =	sld [smem:$0x3FAF]  }
0x2d: {  	s3 =	simm.s32 $0x108;
	s8 =	sld [smem:$0x3FB0]  }
0x2e: {  	s3 =	simm.s32 @!p0 $0x1082;
	s9 =	sld [smem:$0x3FB1]  }
0x2f: {  	lr =	sadd.s32 s0, s3;
	s0 =	sld [smem:$0x3FA8]  }
0x30: {  	s3 =	sld [smem:$0x3FAB]  }
0x31: {  	[smem:$0x3FB4] =	sst s10  }
0x32: {  	s10 =	sld [smem:$0x3FB2];
	_ =	sdelay $0x3  }
0x33: {  	p0 =	seq.s32 s10, $0x1;
	s10 =	sld [smem:$0x3FB4];
	_ =	sdelay $0x3  }
0x34: {  	[smem:$0x3FB4] =	sst s10  }
0x35: {  	s10 =	sld [smem:$0x3FB3];
	_ =	sdelay $0x3  }
0x36: {  	p1 =	seq.s32 s10, $0x1;
	s10 =	sld [smem:$0x3FB4];
	_ =	sdelay $0x3  }
0x37: {  	[smem:$0x3FB4] =	sst s10  }
0x38: {  	s10 =	sld [smem:$0x3FB5]  }
0x39: {  	_ = 	snop;
	(pc) =	sbr.ind lr, $3  }
0x3a: {  	_ = 	snop  }
0x3b: {  	_ = 	snop  }
0x3c: {  	p2 =	seq.s32 s10, $0x1;
	s10 =	sld [smem:$0x3FB4]  }
0x3d: {  	_ =	shalt  }
0x3e: {  	_ =	shalt  }
0x3f: {  	_ =	shalt  }
0x40: {  	_ =	shalt  }
0x41: {  	_ =	shalt  }
0x42: {  	_ =	shalt  }
0x43: {  	_ =	shalt  }
0x44: {  	_ =	shalt  }
0x45: {  	_ =	shalt  }
0x46: {  	_ =	shalt  }
0x47: {  	_ =	shalt  }
0x48: {  	_ =	shalt  }
0x49: {  	_ =	shalt  }
0x4a: {  	_ =	shalt  }
0x4b: {  	_ =	shalt  }
0x4c: {  	_ =	shalt  }
0x4d: {  	_ =	shalt  }
0x4e: {  	_ =	shalt  }
0x4f: {  	_ =	shalt  }
0x50: {  	_ =	shalt  }
0x51: {  	_ =	shalt  }
0x52: {  	_ =	shalt  }
0x53: {  	_ =	shalt  }
0x54: {  	_ =	shalt  }
0x55: {  	_ =	shalt  }
0x56: {  	_ =	shalt  }
0x57: {  	_ =	shalt  }
0x58: {  	_ =	shalt  }
0x59: {  	_ =	shalt  }
0x5a: {  	_ =	shalt  }
0x5b: {  	_ =	shalt  }
0x5c: {  	_ =	shalt  }
0x5d: {  	_ =	shalt  }
0x5e: {  	_ =	shalt  }
0x5f: {  	_ =	shalt  }
0x60: {  	_ =	shalt  }
0x61: {  	_ =	shalt  }
0x62: {  	_ =	shalt  }
0x63: {  	_ =	shalt  }
0x64: {  	_ =	shalt  }
0x65: {  	_ =	shalt  }
0x66: {  	_ =	shalt  }
0x67: {  	_ =	shalt  }
0x68: {  	_ =	shalt  }
0x69: {  	_ =	shalt  }
0x6a: {  	_ =	shalt  }
0x6b: {  	_ =	shalt  }
0x6c: {  	_ =	shalt  }
0x6d: {  	_ =	shalt  }
0x6e: {  	_ =	shalt  }
0x6f: {  	_ =	shalt  }
0x70: {  	_ =	shalt  }
0x71: {  	_ =	shalt  }
0x72: {  	_ =	shalt  }
0x73: {  	_ =	shalt  }
0x74: {  	_ =	shalt  }
0x75: {  	_ =	shalt  }
0x76: {  	_ =	shalt  }
0x77: {  	_ =	shalt  }
0x78: {  	_ =	shalt  }
0x79: {  	_ =	shalt  }
0x7a: {  	_ =	shalt  }
0x7b: {  	_ =	shalt  }
0x7c: {  	_ =	shalt  }
0x7d: {  	_ =	shalt  }
0x7e: {  	_ =	shalt  }
0x7f: {  	_ =	shalt  }
0x80: {  	_ =	shalt  }
0x81: {  	_ =	shalt  }
0x82: {  	_ =	shalt  }
0x83: {  	_ =	shalt  }
0x84: {  	_ =	shalt  }
0x85: {  	_ =	shalt  }
0x86: {  	_ =	shalt  }
0x87: {  	_ =	shalt  }
.Lfunc_end0:
.L_simem_size_0:
called_computation.1_lowered:
.L_overlay_start_0:
0x88: {  	s2 =	sld [smem:$0x3FD9]  }
0x89: {  	s3 =	sld [smem:$0x3FFE];
	_ =	sdelay $0x1  }
0x8a: {  	s1 =	srdreg.scid  }
0x8b: {  	s0 =	sand.u32 $0x1, s1  }
0x8c: {  	s17 =	sshll.u32 s0, $0xA;
	s2 =	sadd.s32 s3, s2  }
0x8d: {  	s2 =	sadd.s32 s2, s17  }
0x8e: {  	[smem:$0x3FC0] =	sst s2  }
0x8f: {  	_ = 	snop  }
0x90: {  	s2 =	sld [smem:$0x3FD0];
	(tm) =	ssettm $0x1  }
0x91: {  	s18 =	sld [smem:$0x3FFB];
	_ =	sdelay $0x3  }
0x92: {  	_ =	strace s18  }
0x93: {  	s3 =	sld [smem:$0x3FFC];
	_ =	sdelay $0x3  }
0x94: {  	_ =	strace s3  }
0x95: {  	s3 =	sld [smem:$0x3FFD];
	_ =	sdelay $0x3  }
0x96: {  	_ =	strace s3  }
0x97: {  	_ =	strace $0x8FFFFFFF  }
0x98: {  	s19 =	sld [smem:$0x3FDB];
	_ =	sdelay $0x1  }
0x99: {  	s4 =	simm.s32 $_scs_section_size  }
0x9a: {  	s5 =	simm.s32 $_size__tile_overlayer_lowered;
	s6 =	simm.s32 $_tile_overlayer_lowered  }
0x9b: {  	s22 =	simm.s32 $0x1BFF;
	s21 =	sshll.u32 s6, $0x1;
	s3 =	sadd.s32 s4, s19  }
0x9c: {  	s7 =	simm.s32 $0x0;
	s20 =	sshll.u32 s5, $0x1;
	s5 =	sadd.s32 s21, s3  }
0x9d: {  	[timem:s7], [sflag:s22] =	dma.local [hbm:s5], s20  }
0x9e: {  	_ =	swait.ge [sflag:s22], s20  }
0x9f: {  	s4 =	ssub.s32 $0x0, s20;
	[sflag:s22] =	ssyncset.done $0x0  }
0xa0: {  	[sflag:s22] =	ssyncadd.s32 s4;
	_ =	sdelay $0x1  }
0xa1: {  	s23 =	simm.s32 $0x1B8B  }
0xa2: {  	_ =	swait.ge [sflag:s23], $0x1  }
0xa3: {  	[sflag:s23] =	ssyncset.done $0x0  }
0xa4: {  	s25 =	simm.s32 $0x1B8E;
	s24 =	sld [smem:$0x3FFE];
	[sflag:s23] =	ssyncadd.s32 $0xFFFFFFFF  }
0xa5: {  	s26 =	simm.s32 $execute0_lowered;
	[smem:$0x3FD2] =	sst s25  }
0xa6: {  	s5 =	sshll.u32 s26, $0x1;
	_ =	strace $0x80000049;
	[dreg:$0x1] =	wrdreg $0xFFFFFFFF  }
0xa7: {  	s28 =	simm.s32 $_size_execute0_lowered;
	s3 =	sadd.s32 s3, s5;
	[dreg:$0x0] =	wrdreg $0x0  }
0xa8: {  	s5 =	sshll.u32 s28, $0x1;
	[dreg:$0x2] =	wrdreg s3  }
0xa9: {  	[dreg:$0x3] =	wrdreg s5  }
0xaa: {  	[dreg:$0x4] =	wrdreg $0xC0  }
0xab: {  	_ =	task [dreg:s7], $0x5FFFF  }
0xac: {  	[dreg:$0x1] =	wrdreg $0xFFFFFFFF  }
0xad: {  	[dreg:$0x0] =	wrdreg $0x60  }
0xae: {  	[dreg:$0x2] =	wrdreg s24  }
0xaf: {  	[dreg:$0x3] =	wrdreg s2  }
0xb0: {  	[dreg:$0x4] =	wrdreg $0x5A00  }
0xb1: {  	[dreg:$0x5] =	wrdreg $0x9  }
0xb2: {  	_ =	task.clear_ibuf [dreg:s7], $0x6FFFF;
	_ =	strace $0x90000049  }
0xb3: {  	s29 =	simm.s32 $0x9;
	_ =	strace $0x8000004B  }
0xb4: {  	_ =	swait.ge [sflag:s29], $0x1  }
0xb5: {  	[sflag:s29] =	ssyncadd.s32 $0xFFFFFFFF  }
0xb6: {  	_ =	strace $0x9000004B  }
0xb7: {  	_ =	sfence  }
0xb8: {  	s30 =	sld [smem:$0x0];
	_ =	sdelay $0x2  }
0xb9: {  	s31 =	sshll.u32 s1, $0xD;
	s1 =	sshrl.u32 s1, $0x2  }
0xba: {  	s3 =	sand.u32 $0x4000, s31;
	s1 =	sadd.s32 s1, s30  }
0xbb: {  	s0 =	sor.u32 s3, s0;
	s1 =	sshll.u32 s1, $0x11  }
0xbc: {  	s0 =	sor.u32 s1, s0  }
0xbd: {  	s0 =	sadd.s32 $0x8F2B, s0  }
0xbe: {  	[sflag:s0] =	ssyncadd.remote.s32 $0x1  }
0xbf: {  	_ =	sfence.sel $0xFFFF  }
0xc0: {  	[dreg:$0x0] =	wrdreg $0xFFFFFFFF;
	(pc) =	sbr.abs _section_cstart, $3  }
0xc1: {  	[dreg:$0x1] =	wrdreg $0xFFFFFFFF  }
0xc2: {  	_ =	task.clear_ibuf [dreg:s7], $0x2FFFF;
	_ =	strace $0x9FFFFFFF  }
0xc3: {  	(tm) =	ssettm $0x7FFFFFFF  }
tec
execute0_lowered:
.L_overlay_start_1:
0x0: {  	(tag) =	ssettag $0x1  }
0x1: {  	s5 =	rddreg [dreg:$0x0]  }
0x2: {  	s7 =	rddreg [dreg:$0x1]  }
0x3: {  	s1 =	rddreg [dreg:$0x2]  }
0x4: {  	s2 =	srdreg.scid;
	s0 =	rddreg [dreg:$0x3];
	s3 =	simm.s32 $0x0  }
0x5: {  	s13 =	simm.s32 $0x50;
	s14 =	simm.s32 $0xA0;
	s6 =	sand.u32 $0x1, s2  }
0x6: {  	s15 =	simm.s32 $0x1;
	s2 =	stileid.u32;
	s8 =	smul.u32 $0x27100, s6  }
0x7: {  	s16 =	simm.s32 $0x0;
	[smem:$0x7FF] =	sst s3;
	s9 =	smul.u32 $0x2710, s2  }
0x8: {  	s4 =	sadd.s32 $0x1A600, s5;
	_ =	strace $0x8000004A;
	s25 =	smul.u32 $0x2800, s2  }
0x9: {  	s10 =	ssub.s32 $0x2, s6;
	s6 =	smul.u32 $0x28000, s6;
	s30 =	sshll.u32 s2, $0x6  }
0xa: {  	s12 =	sshrl.u32 s10, $0x1;
	s8 =	sadd.s32 s9, s8;
	s26 =	sshrl.u32 s25, $0x3  }
0xb: {  	s28 =	ssub.s32 s10, s12;
	s6 =	sadd.s32 s25, s6;
	s29 =	sadd.s32 s25, s1  }
0xc: {  	s12 =	simm.s32 $0x2;
	s8 =	sshrl.u32 s8, $0x3;
	s31 =	sshrl.u32 s6, $0x3  }
0xd: {  	s6 =	sor.u32 $0x1C02, s30;
	s11 =	sadd.s32 s8, s5;
	s5 =	sadd.s32 s26, s5  }
0xe: {  	s7 =	sadd.s32 s7, s31;
	s8 =	smax.u32 s28, $0x1;
	s5 =	sadd.s32 $0x15600, s5  }
0xf: {  	s9 =	sadd.s32 $0xB800, s11;
	s10 =	sadd.s32 $0x1A00, s11;
	s11 =	sshrl.u32 s29, $0x3  }
.LBB2_1:
0x10: {  	[spmem:s11], [sflag:s6] =	dma.local [hbm:s5], $0x500  }
0x11: {  	_ =	swait.ge [sflag:s12], $0x500  }
0x12: {  	[sflag:s12] =	ssyncset.done $0x0  }
0x13: {  	[sflag:s12] =	ssyncadd.s32 $0xFFFFFB00  }
0x14: {  	s17 =	sadd.s32 $0x0, s10;
	[bflag:$0x0] =	sbarrier.arrive $0xFFFF  }
0x15: {  	[tilespmem:s3], [sflag:$0x2] =	stream.linear.gather [hbm4b:s17+s3], $0x50, $0x38;
	[tilespmem:$0x2DA0] =	vst v63  }
0x16: {  	_ =	swait.ge [sflag:s12], $0x50  }
0x17: {  	[sflag:s12] =	ssyncset.done $0x0  }
0x18: {  	s31 =	sadd.s32 $0x0, s9;
	[sflag:s12] =	ssyncadd.s32 $0xFFFFFFB0  }
0x19: {  	[tilespmem:s13], [sflag:$0x2] =	stream.linear.gather [hbm4b:s31+s3], $0x50, $0x38;
	[tilespmem:$0x2DA0] =	vst v63  }
0x1a: {  	_ =	swait.ge [sflag:s12], $0x50  }
0x1b: {  	[sflag:s12] =	ssyncset.done $0x0  }
0x1c: {  	[sflag:s12] =	ssyncadd.s32 $0xFFFFFFB0  }
0x1d: {  	[tilespmem:s14], [sflag:$0x1] =	stream.indirect.gather [hbm4b:s4+s13], $0x10, s3, s13, $0xb8;
	[tilespmem:$0x2DA0] =	vst v63  }
0x1e: {  	_ =	swait.ge [sflag:s15], $0x500  }
0x1f: {  	[sflag:s15] =	ssyncset.done $0x0  }
0x20: {  	[sflag:s15] =	ssyncadd.s32 $0xFFFFFB00  }
0x21: {  	[spmem:s1] =	stream.indirect.scatter.add.f32 [tilespmem:s14], [sflag:$0x2], $0x10, s13, s13, $0xb8;
	[tilespmem:$0x2DA0] =	vst v63  }
0x22: {  	_ =	swait.ge [sflag:s12], $0x500  }
0x23: {  	s18 =	simm.s32 $0x14;
	s17 =	simm.s32 $0xA;
	[sflag:s12] =	ssyncset.done $0x0  }
.LBB2_2:
0x24: {  	s19 =	sadd.s32 s17, s10  }
0x25: {  	[sflag:s12] =	ssyncadd.s32 $0xFFFFFB00;
	s20 =	smov.u32 s18;
	s21 =	sadd.s32 $0xA, s18  }
0x26: {  	[tilespmem:s3], [sflag:$0x2] =	stream.linear.gather [hbm4b:s19+s3], $0x50, $0x38;
	[tilespmem:$0x2DA0] =	vst v63  }
0x27: {  	p0 =	sne.s32 s18, $0x4D8;
	_ =	swait.ge [sflag:s12], $0x50  }
0x28: {  	[sflag:s12] =	ssyncset.done $0x0  }
0x29: {  	s18 =	sadd.s32 s17, s9;
	s17 =	smov.u32 s20;
	[sflag:s12] =	ssyncadd.s32 $0xFFFFFFB0  }
0x2a: {  	[tilespmem:s13], [sflag:$0x2] =	stream.linear.gather [hbm4b:s18+s3], $0x50, $0x38;
	[tilespmem:$0x2DA0] =	vst v63  }
0x2b: {  	_ =	swait.ge [sflag:s12], $0x50  }
0x2c: {  	[sflag:s12] =	ssyncset.done $0x0  }
0x2d: {  	[sflag:s12] =	ssyncadd.s32 $0xFFFFFFB0  }
0x2e: {  	[tilespmem:s14], [sflag:$0x1] =	stream.indirect.gather [hbm4b:s4+s13], $0x10, s3, s13, $0xb8;
	[tilespmem:$0x2DA0] =	vst v63  }
0x2f: {  	_ =	swait.ge [sflag:s15], $0x500  }
.Ltmp0:
0x30: {  	[sflag:s15] =	ssyncset.done $0x0;
	(pc) =	sbr.rel @p0 .LBB2_2-.Ltmp0, $4  }
0x31: {  	[sflag:s15] =	ssyncadd.s32 $0xFFFFFB00  }
0x32: {  	[spmem:s1] =	stream.indirect.scatter.add.f32 [tilespmem:s14], [sflag:$0x2], $0x10, s13, s13, $0xb8;
	[tilespmem:$0x2DA0] =	vst v63  }
0x33: {  	_ =	swait.ge [sflag:s12], $0x500  }
0x34: {  	s18 =	smov.u32 s21;
	[sflag:s12] =	ssyncset.done $0x0  }
0x35: {  	s18 =	sadd.s32 s17, s10;
	[sflag:s12] =	ssyncadd.s32 $0xFFFFFB00  }
0x36: {  	[tilespmem:s3], [sflag:$0x2] =	stream.linear.gather [hbm4b:s18+s3], $0x50, $0x38;
	[tilespmem:$0x2DA0] =	vst v63  }
0x37: {  	_ =	swait.ge [sflag:s12], $0x50  }
0x38: {  	[sflag:s12] =	ssyncset.done $0x0  }
0x39: {  	s31 =	sadd.s32 s17, s9;
	[sflag:s12] =	ssyncadd.s32 $0xFFFFFFB0  }
0x3a: {  	[tilespmem:s13], [sflag:$0x2] =	stream.linear.gather [hbm4b:s31+s3], $0x50, $0x38;
	[tilespmem:$0x2DA0] =	vst v63  }
0x3b: {  	_ =	swait.ge [sflag:s12], $0x50  }
0x3c: {  	[sflag:s12] =	ssyncset.done $0x0  }
0x3d: {  	[sflag:s12] =	ssyncadd.s32 $0xFFFFFFB0  }
0x3e: {  	[tilespmem:s14], [sflag:$0x1] =	stream.indirect.gather [hbm4b:s4+s13], $0x10, s3, s13, $0xb8;
	[tilespmem:$0x2DA0] =	vst v63  }
0x3f: {  	_ =	swait.ge [sflag:s15], $0x500  }
0x40: {  	[sflag:s15] =	ssyncset.done $0x0  }
0x41: {  	[sflag:s15] =	ssyncadd.s32 $0xFFFFFB00  }
0x42: {  	[spmem:s1] =	stream.indirect.scatter.add.f32 [tilespmem:s14], [sflag:$0x2], $0x10, s13, s13, $0xb8;
	[tilespmem:$0x2DA0] =	vst v63  }
0x43: {  	_ =	swait.ge [sflag:s12], $0x500  }
0x44: {  	s16 =	sadd.s32 $0x1, s16;
	[sflag:s12] =	ssyncset.done $0x0  }
0x45: {  	p0 =	sne.s32 s16, s8;
	[sflag:s12] =	ssyncadd.s32 $0xFFFFFB00  }
.Ltmp1:
0x46: {  	[bflag:$0x0] =	sbarrier.arrive $0xFFFF;
	(pc) =	sbr.rel @p0 .LBB2_1-.Ltmp1, $4  }
0x47: {  	[hbm:s7], [sflag:s6] =	dma.local [spmem:s11], $0x500  }
0x48: {  	_ =	swait.ge [sflag:s12], $0x500  }
0x49: {  	[sflag:s12] =	ssyncset.done $0x0  }
0x4a: {  	[sflag:s12] =	ssyncadd.s32 $0xFFFFFB00  }
0x4b: {  	_ =	sfence.sel $0x180000  }
0x4c: {  	[bflag:$0x0] =	sbarrier.arrive $0xFFFF  }
0x4d: {  	p0 =	sne.s32 s2, $0x0;
	_ =	strace $0x9000004A  }
0x4e: {  	s0 =	sadd.s32 @!p0 $0x100000, s0;
	[bflag:$0x2] =	sbarrier.arrive $0xFFFF  }
0x4f: {  	[sflag:s0] =	ssyncadd.tile.s32 @!p0 $0x1;
	_ =	shalt  }
.Lfunc_end2:
_tile_overlayer_lowered:
.L_overlay_start_2:
0x50: {  	(tag) =	ssettag $0x2  }
0x51: {  	s0 =	rddreg [dreg:$0x0];
	s2 =	stileid.u32  }
0x52: {  	s1 =	rddreg [dreg:$0x1];
	p0 =	sne.s32 s2, $0x0  }
0x53: {  	s3 =	rddreg [dreg:$0x2];
	[bflag:$0x3] =	sbarrier.arrive $0xFFFF;
	s2 =	simm.s32 @!p0 $0x1C02  }
0x54: {  	[timem:s3], [sflag:s2] =	dma.local @!p0 [hbm:s0], s1  }
0x55: {  	s0 =	simm.s32 @!p0 $0x2  }
0x56: {  	_ =	swait.ge @!p0 [sflag:s0], s1  }
0x57: {  	s1 =	ssub.s32 @!p0 $0x0, s1;
	[sflag:s0] =	ssyncset.done @!p0 $0x0  }
0x58: {  	[sflag:s0] =	ssyncadd.s32 @!p0 s1  }
0x59: {  	[bflag:$0x3] =	sbarrier.arrive $0xFFFF  }
0x5a: {  	_ =	shalt  }

// kernel: kernel.14.cloned.1.call-start
scs
__scs_entry_jumppad:
0x0: {  	(pc) =	sbr.rel $0x88, $3  }
0x1: {  	(tag) =	ssettag $0x0;
	lr =	simm.s32 $0x1  }
0x2: {  	[smem:$0x3F99] =	sst lr;
	_ =	strace $0xD0000000  }
0x3: {  	_ = 	snop  }
0x4: {  	_ = 	snop  }
0x5: {  	_ = 	snop  }
0x6: {  	_ = 	snop  }
0x7: {  	_ = 	snop  }
__scs_overlays_trampoline_lowered:
0x8: {  	[smem:$0x3FA8] =	sst s0  }
0x9: {  	[smem:$0x3FA9] =	sst s1  }
0xa: {  	[smem:$0x3FAA] =	sst s2  }
0xb: {  	[smem:$0x3FAB] =	sst s3  }
0xc: {  	[smem:$0x3FAC] =	sst s4  }
0xd: {  	[smem:$0x3FAD] =	sst s5  }
0xe: {  	[smem:$0x3FAE] =	sst s6  }
0xf: {  	[smem:$0x3FAF] =	sst s7  }
0x10: {  	[smem:$0x3FB0] =	sst s8  }
0x11: {  	[smem:$0x3FB1] =	sst s9;
	s0 =	simm.s32 @!p0 $0x0  }
0x12: {  	s1 =	sld [smem:$0x3F97];
	s0 =	simm.s32 @p0 $0x1  }
0x13: {  	[smem:$0x3FB2] =	sst s0;
	s0 =	simm.s32 @!p1 $0x0  }
0x14: {  	s2 =	sld [smem:$0x3F96];
	s0 =	simm.s32 @p1 $0x1  }
0x15: {  	[smem:$0x3FB3] =	sst s0;
	s0 =	simm.s32 @!p2 $0x0  }
0x16: {  	s3 =	sld [smem:$0x3FDB];
	s0 =	simm.s32 @p2 $0x1  }
0x17: {  	s4 =	simm.s32 $0x1BF5;
	[smem:$0x3FB5] =	sst s0  }
0x18: {  	s0 =	sld [smem:$0x3F98];
	_ =	swait.ge [sflag:s4], $0x0  }
0x19: {  	s7 =	sld [smem:$0x3F99]  }
0x1a: {  	s8 =	sadd.s32 $0xFFFFE003, lr  }
0x1b: {  	s9 =	sadd.s32 $0xFFFFFEF7, lr;
	s5 =	simm.s32 $0xFFFFFFFF;
	p2 =	slt.u32 s8, $0xFFFFF086  }
0x1c: {  	p1 =	slt.u32 s9, $0xF7A;
	s5 =	simm.s32 @!p2 $0x0  }
0x1d: {  	s5 =	simm.s32 @p1 $0x1;
	p0 =	seq.s32 s7, s2  }
0x1e: {  	s7 =	smul.u32 @!p0 $0xF7A, s2;
	p2 =	seq.s32 @!p0 s5, $0x0  }
0x1f: {  	s9 =	smul.u32 $0xF7A, s1;
	s8 =	simm.s32 @!p0 $0x1BF5;
	p2 =	por !p2, p0  }
0x20: {  	[sflag:s8] =	ssyncset.s32 @!p0 $0xFFFFF086;
	s6 =	sadd.s32 @!p0 s3, s7;
	s7 =	simm.s32 @!p0 $0x108  }
0x21: {  	s3 =	sadd.s32 s3, s9;
	s6 =	sadd.s32 @!p0 $0x88, s6;
	s7 =	simm.s32 @p2 $0x1082  }
0x22: {  	[simem:s7], [sflag:s8] =	dma.local @!p0 [hbm:s6], $0xF7A  }
0x23: {  	s9 =	sor.u32 $0xD0000000, s2;
	s6 =	simm.s32 $0x108;
	_ =	swait.ge @!p0 [sflag:s8], $0x0  }
0x24: {  	s3 =	sadd.s32 $0x88, s3;
	s6 =	simm.s32 @!p1 $0x1082;
	[sflag:s4] =	ssyncset.s32 $0xFFFFF086  }
0x25: {  	[simem:s6], [sflag:s4] =	dma.local [hbm:s3], $0xF7A  }
0x26: {  	[smem:$0x3F99] =	sst s1;
	(tag) =	ssettag s2;
	_ =	strace s9  }
0x27: {  	s1 =	sld [smem:$0x3FA9]  }
0x28: {  	s2 =	sld [smem:$0x3FAA]  }
0x29: {  	s4 =	sld [smem:$0x3FAC]  }
0x2a: {  	p0 =	seq.s32 s5, $0x0;
	s5 =	sld [smem:$0x3FAD]  }
0x2b: {  	s6 =	sld [smem:$0x3FAE]  }
0x2c: {  	s7 =	sld [smem:$0x3FAF]  }
0x2d: {  	s3 =	simm.s32 $0x108;
	s8 =	sld [smem:$0x3FB0]  }
0x2e: {  	s3 =	simm.s32 @!p0 $0x1082;
	s9 =	sld [smem:$0x3FB1]  }
0x2f: {  	lr =	sadd.s32 s0, s3;
	s0 =	sld [smem:$0x3FA8]  }
0x30: {  	s3 =	sld [smem:$0x3FAB]  }
0x31: {  	[smem:$0x3FB4] =	sst s10  }
0x32: {  	s10 =	sld [smem:$0x3FB2];
	_ =	sdelay $0x3  }
0x33: {  	p0 =	seq.s32 s10, $0x1;
	s10 =	sld [smem:$0x3FB4];
	_ =	sdelay $0x3  }
0x34: {  	[smem:$0x3FB4] =	sst s10  }
0x35: {  	s10 =	sld [smem:$0x3FB3];
	_ =	sdelay $0x3  }
0x36: {  	p1 =	seq.s32 s10, $0x1;
	s10 =	sld [smem:$0x3FB4];
	_ =	sdelay $0x3  }
0x37: {  	[smem:$0x3FB4] =	sst s10  }
0x38: {  	s10 =	sld [smem:$0x3FB5]  }
0x39: {  	_ = 	snop;
	(pc) =	sbr.ind lr, $3  }
0x3a: {  	_ = 	snop  }
0x3b: {  	_ = 	snop  }
0x3c: {  	p2 =	seq.s32 s10, $0x1;
	s10 =	sld [smem:$0x3FB4]  }
0x3d: {  	_ =	shalt  }
0x3e: {  	_ =	shalt  }
0x3f: {  	_ =	shalt  }
0x40: {  	_ =	shalt  }
0x41: {  	_ =	shalt  }
0x42: {  	_ =	shalt  }
0x43: {  	_ =	shalt  }
0x44: {  	_ =	shalt  }
0x45: {  	_ =	shalt  }
0x46: {  	_ =	shalt  }
0x47: {  	_ =	shalt  }
0x48: {  	_ =	shalt  }
0x49: {  	_ =	shalt  }
0x4a: {  	_ =	shalt  }
0x4b: {  	_ =	shalt  }
0x4c: {  	_ =	shalt  }
0x4d: {  	_ =	shalt  }
0x4e: {  	_ =	shalt  }
0x4f: {  	_ =	shalt  }
0x50: {  	_ =	shalt  }
0x51: {  	_ =	shalt  }
0x52: {  	_ =	shalt  }
0x53: {  	_ =	shalt  }
0x54: {  	_ =	shalt  }
0x55: {  	_ =	shalt  }
0x56: {  	_ =	shalt  }
0x57: {  	_ =	shalt  }
0x58: {  	_ =	shalt  }
0x59: {  	_ =	shalt  }
0x5a: {  	_ =	shalt  }
0x5b: {  	_ =	shalt  }
0x5c: {  	_ =	shalt  }
0x5d: {  	_ =	shalt  }
0x5e: {  	_ =	shalt  }
0x5f: {  	_ =	shalt  }
0x60: {  	_ =	shalt  }
0x61: {  	_ =	shalt  }
0x62: {  	_ =	shalt  }
0x63: {  	_ =	shalt  }
0x64: {  	_ =	shalt  }
0x65: {  	_ =	shalt  }
0x66: {  	_ =	shalt  }
0x67: {  	_ =	shalt  }
0x68: {  	_ =	shalt  }
0x69: {  	_ =	shalt  }
0x6a: {  	_ =	shalt  }
0x6b: {  	_ =	shalt  }
0x6c: {  	_ =	shalt  }
0x6d: {  	_ =	shalt  }
0x6e: {  	_ =	shalt  }
0x6f: {  	_ =	shalt  }
0x70: {  	_ =	shalt  }
0x71: {  	_ =	shalt  }
0x72: {  	_ =	shalt  }
0x73: {  	_ =	shalt  }
0x74: {  	_ =	shalt  }
0x75: {  	_ =	shalt  }
0x76: {  	_ =	shalt  }
0x77: {  	_ =	shalt  }
0x78: {  	_ =	shalt  }
0x79: {  	_ =	shalt  }
0x7a: {  	_ =	shalt  }
0x7b: {  	_ =	shalt  }
0x7c: {  	_ =	shalt  }
0x7d: {  	_ =	shalt  }
0x7e: {  	_ =	shalt  }
0x7f: {  	_ =	shalt  }
0x80: {  	_ =	shalt  }
0x81: {  	_ =	shalt  }
0x82: {  	_ =	shalt  }
0x83: {  	_ =	shalt  }
0x84: {  	_ =	shalt  }
0x85: {  	_ =	shalt  }
0x86: {  	_ =	shalt  }
0x87: {  	_ =	shalt  }
.Lfunc_end0:
.L_simem_size_0:
called_computation.2_lowered:
.L_overlay_start_0:
0x88: {  	s2 =	sld [smem:$0x3FD9]  }
0x89: {  	s3 =	sld [smem:$0x3FFE];
	_ =	sdelay $0x1  }
0x8a: {  	s1 =	srdreg.scid  }
0x8b: {  	s0 =	sand.u32 $0x1, s1  }
0x8c: {  	s17 =	sshll.u32 s0, $0xA;
	s2 =	sadd.s32 s3, s2  }
0x8d: {  	s2 =	sadd.s32 s2, s17  }
0x8e: {  	[smem:$0x3FC0] =	sst s2  }
0x8f: {  	_ = 	snop  }
0x90: {  	s2 =	sld [smem:$0x3FD0];
	(tm) =	ssettm $0x1  }
0x91: {  	s18 =	sld [smem:$0x3FFB];
	_ =	sdelay $0x3  }
0x92: {  	_ =	strace s18  }
0x93: {  	s3 =	sld [smem:$0x3FFC];
	_ =	sdelay $0x3  }
0x94: {  	_ =	strace s3  }
0x95: {  	s3 =	sld [smem:$0x3FFD];
	_ =	sdelay $0x3  }
0x96: {  	_ =	strace s3  }
0x97: {  	_ =	strace $0x8FFFFFFF  }
0x98: {  	s19 =	sld [smem:$0x3FDB];
	_ =	sdelay $0x1  }
0x99: {  	s4 =	simm.s32 $_scs_section_size  }
0x9a: {  	s5 =	simm.s32 $_size__tile_overlayer_lowered;
	s6 =	simm.s32 $_tile_overlayer_lowered  }
0x9b: {  	s22 =	simm.s32 $0x1BFF;
	s21 =	sshll.u32 s6, $0x1;
	s3 =	sadd.s32 s4, s19  }
0x9c: {  	s7 =	simm.s32 $0x0;
	s20 =	sshll.u32 s5, $0x1;
	s5 =	sadd.s32 s21, s3  }
0x9d: {  	[timem:s7], [sflag:s22] =	dma.local [hbm:s5], s20  }
0x9e: {  	_ =	swait.ge [sflag:s22], s20  }
0x9f: {  	s4 =	ssub.s32 $0x0, s20;
	[sflag:s22] =	ssyncset.done $0x0  }
0xa0: {  	[sflag:s22] =	ssyncadd.s32 s4;
	_ =	sdelay $0x1  }
0xa1: {  	s23 =	simm.s32 $0x1B8B  }
0xa2: {  	_ =	swait.ge [sflag:s23], $0x1  }
0xa3: {  	[sflag:s23] =	ssyncset.done $0x0  }
0xa4: {  	s25 =	simm.s32 $0x1B8E;
	s24 =	sld [smem:$0x3FFE];
	[sflag:s23] =	ssyncadd.s32 $0xFFFFFFFF  }
0xa5: {  	s26 =	simm.s32 $execute0_lowered;
	[smem:$0x3FD2] =	sst s25  }
0xa6: {  	s5 =	sshll.u32 s26, $0x1;
	_ =	strace $0x8000004C;
	[dreg:$0x1] =	wrdreg $0xFFFFFFFF  }
0xa7: {  	s28 =	simm.s32 $_size_execute0_lowered;
	s3 =	sadd.s32 s3, s5;
	[dreg:$0x0] =	wrdreg $0x0  }
0xa8: {  	s5 =	sshll.u32 s28, $0x1;
	[dreg:$0x2] =	wrdreg s3  }
0xa9: {  	[dreg:$0x3] =	wrdreg s5  }
0xaa: {  	[dreg:$0x4] =	wrdreg $0xC0  }
0xab: {  	_ =	task [dreg:s7], $0x5FFFF  }
0xac: {  	[dreg:$0x1] =	wrdreg $0xFFFFFFFF  }
0xad: {  	[dreg:$0x0] =	wrdreg $0x60  }
0xae: {  	[dreg:$0x2] =	wrdreg s24  }
0xaf: {  	[dreg:$0x3] =	wrdreg s2  }
0xb0: {  	[dreg:$0x4] =	wrdreg $0x3200  }
0xb1: {  	[dreg:$0x5] =	wrdreg $0x9  }
0xb2: {  	_ =	task.clear_ibuf [dreg:s7], $0x6FFFF;
	_ =	strace $0x9000004C  }
0xb3: {  	s29 =	simm.s32 $0x9;
	_ =	strace $0x8000004E  }
0xb4: {  	_ =	swait.ge [sflag:s29], $0x1  }
0xb5: {  	[sflag:s29] =	ssyncadd.s32 $0xFFFFFFFF  }
0xb6: {  	_ =	strace $0x9000004E  }
0xb7: {  	_ =	sfence  }
0xb8: {  	s30 =	sld [smem:$0x0];
	_ =	sdelay $0x2  }
0xb9: {  	s31 =	sshll.u32 s1, $0xD;
	s1 =	sshrl.u32 s1, $0x2  }
0xba: {  	s3 =	sand.u32 $0x4000, s31;
	s1 =	sadd.s32 s1, s30  }
0xbb: {  	s0 =	sor.u32 s3, s0;
	s1 =	sshll.u32 s1, $0x11  }
0xbc: {  	s0 =	sor.u32 s1, s0  }
0xbd: {  	s0 =	sadd.s32 $0x8F2B, s0  }
0xbe: {  	[sflag:s0] =	ssyncadd.remote.s32 $0x1  }
0xbf: {  	_ =	sfence.sel $0xFFFF  }
0xc0: {  	[dreg:$0x0] =	wrdreg $0xFFFFFFFF;
	(pc) =	sbr.abs _section_cstart, $3  }
0xc1: {  	[dreg:$0x1] =	wrdreg $0xFFFFFFFF  }
0xc2: {  	_ =	task.clear_ibuf [dreg:s7], $0x2FFFF;
	_ =	strace $0x9FFFFFFF  }
0xc3: {  	(tm) =	ssettm $0x7FFFFFFF  }
tec
execute0_lowered:
.L_overlay_start_1:
0x0: {  	(tag) =	ssettag $0x1  }
0x1: {  	s5 =	rddreg [dreg:$0x0]  }
0x2: {  	s7 =	rddreg [dreg:$0x1]  }
0x3: {  	s1 =	rddreg [dreg:$0x2]  }
0x4: {  	s2 =	srdreg.scid;
	s0 =	rddreg [dreg:$0x3];
	s3 =	simm.s32 $0x0  }
0x5: {  	s13 =	simm.s32 $0x50;
	s14 =	simm.s32 $0xA0;
	s6 =	sand.u32 $0x1, s2  }
0x6: {  	s15 =	simm.s32 $0x1;
	s2 =	stileid.u32;
	s8 =	smul.u32 $0x27100, s6  }
0x7: {  	s16 =	simm.s32 $0x0;
	[smem:$0x7FF] =	sst s3;
	s9 =	smul.u32 $0x2710, s2  }
0x8: {  	s4 =	sadd.s32 $0x15600, s5;
	_ =	strace $0x8000004D;
	s25 =	smul.u32 $0x1400, s2  }
0x9: {  	s10 =	ssub.s32 $0x2, s6;
	s6 =	smul.u32 $0x14000, s6;
	s30 =	sshll.u32 s2, $0x6  }
0xa: {  	s12 =	sshrl.u32 s10, $0x1;
	s8 =	sadd.s32 s9, s8;
	s26 =	sshrl.u32 s25, $0x3  }
0xb: {  	s28 =	ssub.s32 s10, s12;
	s6 =	sadd.s32 s25, s6;
	s29 =	sadd.s32 s25, s1  }
0xc: {  	s12 =	simm.s32 $0x2;
	s8 =	sshrl.u32 s8, $0x3;
	s31 =	sshrl.u32 s6, $0x3  }
0xd: {  	s6 =	sor.u32 $0x1C02, s30;
	s11 =	sadd.s32 s8, s5;
	s5 =	sadd.s32 s26, s5  }
0xe: {  	s7 =	sadd.s32 s7, s31;
	s8 =	smax.u32 s28, $0x1;
	s5 =	sadd.s32 $0x17E00, s5  }
0xf: {  	s9 =	sadd.s32 $0xB800, s11;
	s10 =	sadd.s32 $0x1A00, s11;
	s11 =	sshrl.u32 s29, $0x3  }
.LBB2_1:
0x10: {  	[spmem:s11], [sflag:s6] =	dma.local [hbm:s5], $0x280  }
0x11: {  	_ =	swait.ge [sflag:s12], $0x280  }
0x12: {  	[sflag:s12] =	ssyncset.done $0x0  }
0x13: {  	[sflag:s12] =	ssyncadd.s32 $0xFFFFFD80  }
0x14: {  	s17 =	sadd.s32 $0x0, s10;
	[bflag:$0x0] =	sbarrier.arrive $0xFFFF  }
0x15: {  	[tilespmem:s3], [sflag:$0x2] =	stream.linear.gather [hbm4b:s17+s3], $0x50, $0x38;
	[tilespmem:$0x1720] =	vst v63  }
0x16: {  	_ =	swait.ge [sflag:s12], $0x50  }
0x17: {  	[sflag:s12] =	ssyncset.done $0x0  }
0x18: {  	s31 =	sadd.s32 $0x0, s9;
	[sflag:s12] =	ssyncadd.s32 $0xFFFFFFB0  }
0x19: {  	[tilespmem:s13], [sflag:$0x2] =	stream.linear.gather [hbm4b:s31+s3], $0x50, $0x38;
	[tilespmem:$0x1720] =	vst v63  }
0x1a: {  	_ =	swait.ge [sflag:s12], $0x50  }
0x1b: {  	[sflag:s12] =	ssyncset.done $0x0  }
0x1c: {  	[sflag:s12] =	ssyncadd.s32 $0xFFFFFFB0  }
0x1d: {  	[tilespmem:s14], [sflag:$0x1] =	stream.indirect.gather [hbm4b:s4+s13], $0x8, s3, s13, $0xb8;
	[tilespmem:$0x1720] =	vst v63  }
0x1e: {  	_ =	swait.ge [sflag:s15], $0x280  }
0x1f: {  	[sflag:s15] =	ssyncset.done $0x0  }
0x20: {  	[sflag:s15] =	ssyncadd.s32 $0xFFFFFD80  }
0x21: {  	[spmem:s1] =	stream.indirect.scatter.add.f32 [tilespmem:s14], [sflag:$0x2], $0x8, s13, s13, $0xb8;
	[tilespmem:$0x1720] =	vst v63  }
0x22: {  	_ =	swait.ge [sflag:s12], $0x280  }
0x23: {  	s18 =	simm.s32 $0x14;
	s17 =	simm.s32 $0xA;
	[sflag:s12] =	ssyncset.done $0x0  }
.LBB2_2:
0x24: {  	s19 =	sadd.s32 s17, s10  }
0x25: {  	[sflag:s12] =	ssyncadd.s32 $0xFFFFFD80;
	s20 =	smov.u32 s18;
	s21 =	sadd.s32 $0xA, s18  }
0x26: {  	[tilespmem:s3], [sflag:$0x2] =	stream.linear.gather [hbm4b:s19+s3], $0x50, $0x38;
	[tilespmem:$0x1720] =	vst v63  }
0x27: {  	p0 =	sne.s32 s18, $0x4D8;
	_ =	swait.ge [sflag:s12], $0x50  }
0x28: {  	[sflag:s12] =	ssyncset.done $0x0  }
0x29: {  	s18 =	sadd.s32 s17, s9;
	s17 =	smov.u32 s20;
	[sflag:s12] =	ssyncadd.s32 $0xFFFFFFB0  }
0x2a: {  	[tilespmem:s13], [sflag:$0x2] =	stream.linear.gather [hbm4b:s18+s3], $0x50, $0x38;
	[tilespmem:$0x1720] =	vst v63  }
0x2b: {  	_ =	swait.ge [sflag:s12], $0x50  }
0x2c: {  	[sflag:s12] =	ssyncset.done $0x0  }
0x2d: {  	[sflag:s12] =	ssyncadd.s32 $0xFFFFFFB0  }
0x2e: {  	[tilespmem:s14], [sflag:$0x1] =	stream.indirect.gather [hbm4b:s4+s13], $0x8, s3, s13, $0xb8;
	[tilespmem:$0x1720] =	vst v63  }
0x2f: {  	_ =	swait.ge [sflag:s15], $0x280  }
.Ltmp0:
0x30: {  	[sflag:s15] =	ssyncset.done $0x0;
	(pc) =	sbr.rel @p0 .LBB2_2-.Ltmp0, $4  }
0x31: {  	[sflag:s15] =	ssyncadd.s32 $0xFFFFFD80  }
0x32: {  	[spmem:s1] =	stream.indirect.scatter.add.f32 [tilespmem:s14], [sflag:$0x2], $0x8, s13, s13, $0xb8;
	[tilespmem:$0x1720] =	vst v63  }
0x33: {  	_ =	swait.ge [sflag:s12], $0x280  }
0x34: {  	s18 =	smov.u32 s21;
	[sflag:s12] =	ssyncset.done $0x0  }
0x35: {  	s18 =	sadd.s32 s17, s10;
	[sflag:s12] =	ssyncadd.s32 $0xFFFFFD80  }
0x36: {  	[tilespmem:s3], [sflag:$0x2] =	stream.linear.gather [hbm4b:s18+s3], $0x50, $0x38;
	[tilespmem:$0x1720] =	vst v63  }
0x37: {  	_ =	swait.ge [sflag:s12], $0x50  }
0x38: {  	[sflag:s12] =	ssyncset.done $0x0  }
0x39: {  	s31 =	sadd.s32 s17, s9;
	[sflag:s12] =	ssyncadd.s32 $0xFFFFFFB0  }
0x3a: {  	[tilespmem:s13], [sflag:$0x2] =	stream.linear.gather [hbm4b:s31+s3], $0x50, $0x38;
	[tilespmem:$0x1720] =	vst v63  }
0x3b: {  	_ =	swait.ge [sflag:s12], $0x50  }
0x3c: {  	[sflag:s12] =	ssyncset.done $0x0  }
0x3d: {  	[sflag:s12] =	ssyncadd.s32 $0xFFFFFFB0  }
0x3e: {  	[tilespmem:s14], [sflag:$0x1] =	stream.indirect.gather [hbm4b:s4+s13], $0x8, s3, s13, $0xb8;
	[tilespmem:$0x1720] =	vst v63  }
0x3f: {  	_ =	swait.ge [sflag:s15], $0x280  }
0x40: {  	[sflag:s15] =	ssyncset.done $0x0  }
0x41: {  	[sflag:s15] =	ssyncadd.s32 $0xFFFFFD80  }
0x42: {  	[spmem:s1] =	stream.indirect.scatter.add.f32 [tilespmem:s14], [sflag:$0x2], $0x8, s13, s13, $0xb8;
	[tilespmem:$0x1720] =	vst v63  }
0x43: {  	_ =	swait.ge [sflag:s12], $0x280  }
0x44: {  	s16 =	sadd.s32 $0x1, s16;
	[sflag:s12] =	ssyncset.done $0x0  }
0x45: {  	p0 =	sne.s32 s16, s8;
	[sflag:s12] =	ssyncadd.s32 $0xFFFFFD80  }
.Ltmp1:
0x46: {  	[bflag:$0x0] =	sbarrier.arrive $0xFFFF;
	(pc) =	sbr.rel @p0 .LBB2_1-.Ltmp1, $4  }
0x47: {  	[hbm:s7], [sflag:s6] =	dma.local [spmem:s11], $0x280  }
0x48: {  	_ =	swait.ge [sflag:s12], $0x280  }
0x49: {  	[sflag:s12] =	ssyncset.done $0x0  }
0x4a: {  	[sflag:s12] =	ssyncadd.s32 $0xFFFFFD80  }
0x4b: {  	_ =	sfence.sel $0x180000  }
0x4c: {  	[bflag:$0x0] =	sbarrier.arrive $0xFFFF  }
0x4d: {  	p0 =	sne.s32 s2, $0x0;
	_ =	strace $0x9000004D  }
0x4e: {  	s0 =	sadd.s32 @!p0 $0x100000, s0;
	[bflag:$0x2] =	sbarrier.arrive $0xFFFF  }
0x4f: {  	[sflag:s0] =	ssyncadd.tile.s32 @!p0 $0x1;
	_ =	shalt  }
.Lfunc_end2:
_tile_overlayer_lowered:
.L_overlay_start_2:
0x50: {  	(tag) =	ssettag $0x2  }
0x51: {  	s0 =	rddreg [dreg:$0x0];
	s2 =	stileid.u32  }
0x52: {  	s1 =	rddreg [dreg:$0x1];
	p0 =	sne.s32 s2, $0x0  }
0x53: {  	s3 =	rddreg [dreg:$0x2];
	[bflag:$0x3] =	sbarrier.arrive $0xFFFF;
	s2 =	simm.s32 @!p0 $0x1C02  }
0x54: {  	[timem:s3], [sflag:s2] =	dma.local @!p0 [hbm:s0], s1  }
0x55: {  	s0 =	simm.s32 @!p0 $0x2  }
0x56: {  	_ =	swait.ge @!p0 [sflag:s0], s1  }
0x57: {  	s1 =	ssub.s32 @!p0 $0x0, s1;
	[sflag:s0] =	ssyncset.done @!p0 $0x0  }
0x58: {  	[sflag:s0] =	ssyncadd.s32 @!p0 s1  }
0x59: {  	[bflag:$0x3] =	sbarrier.arrive $0xFFFF  }
0x5a: {  	_ =	shalt  }

// kernel: kernel.8.cloned.1.call-start
scs
__scs_entry_jumppad:
0x0: {  	(pc) =	sbr.rel $0x88, $3  }
0x1: {  	(tag) =	ssettag $0x0;
	lr =	simm.s32 $0x1  }
0x2: {  	[smem:$0x3F99] =	sst lr;
	_ =	strace $0xD0000000  }
0x3: {  	_ = 	snop  }
0x4: {  	_ = 	snop  }
0x5: {  	_ = 	snop  }
0x6: {  	_ = 	snop  }
0x7: {  	_ = 	snop  }
__scs_overlays_trampoline_lowered:
0x8: {  	[smem:$0x3FA8] =	sst s0  }
0x9: {  	[smem:$0x3FA9] =	sst s1  }
0xa: {  	[smem:$0x3FAA] =	sst s2  }
0xb: {  	[smem:$0x3FAB] =	sst s3  }
0xc: {  	[smem:$0x3FAC] =	sst s4  }
0xd: {  	[smem:$0x3FAD] =	sst s5  }
0xe: {  	[smem:$0x3FAE] =	sst s6  }
0xf: {  	[smem:$0x3FAF] =	sst s7  }
0x10: {  	[smem:$0x3FB0] =	sst s8  }
0x11: {  	[smem:$0x3FB1] =	sst s9;
	s0 =	simm.s32 @!p0 $0x0  }
0x12: {  	s1 =	sld [smem:$0x3F97];
	s0 =	simm.s32 @p0 $0x1  }
0x13: {  	[smem:$0x3FB2] =	sst s0;
	s0 =	simm.s32 @!p1 $0x0  }
0x14: {  	s2 =	sld [smem:$0x3F96];
	s0 =	simm.s32 @p1 $0x1  }
0x15: {  	[smem:$0x3FB3] =	sst s0;
	s0 =	simm.s32 @!p2 $0x0  }
0x16: {  	s3 =	sld [smem:$0x3FDB];
	s0 =	simm.s32 @p2 $0x1  }
0x17: {  	s4 =	simm.s32 $0x1BF5;
	[smem:$0x3FB5] =	sst s0  }
0x18: {  	s0 =	sld [smem:$0x3F98];
	_ =	swait.ge [sflag:s4], $0x0  }
0x19: {  	s7 =	sld [smem:$0x3F99]  }
0x1a: {  	s8 =	sadd.s32 $0xFFFFE003, lr  }
0x1b: {  	s9 =	sadd.s32 $0xFFFFFEF7, lr;
	s5 =	simm.s32 $0xFFFFFFFF;
	p2 =	slt.u32 s8, $0xFFFFF086  }
0x1c: {  	p1 =	slt.u32 s9, $0xF7A;
	s5 =	simm.s32 @!p2 $0x0  }
0x1d: {  	s5 =	simm.s32 @p1 $0x1;
	p0 =	seq.s32 s7, s2  }
0x1e: {  	s7 =	smul.u32 @!p0 $0xF7A, s2;
	p2 =	seq.s32 @!p0 s5, $0x0  }
0x1f: {  	s9 =	smul.u32 $0xF7A, s1;
	s8 =	simm.s32 @!p0 $0x1BF5;
	p2 =	por !p2, p0  }
0x20: {  	[sflag:s8] =	ssyncset.s32 @!p0 $0xFFFFF086;
	s6 =	sadd.s32 @!p0 s3, s7;
	s7 =	simm.s32 @!p0 $0x108  }
0x21: {  	s3 =	sadd.s32 s3, s9;
	s6 =	sadd.s32 @!p0 $0x88, s6;
	s7 =	simm.s32 @p2 $0x1082  }
0x22: {  	[simem:s7], [sflag:s8] =	dma.local @!p0 [hbm:s6], $0xF7A  }
0x23: {  	s9 =	sor.u32 $0xD0000000, s2;
	s6 =	simm.s32 $0x108;
	_ =	swait.ge @!p0 [sflag:s8], $0x0  }
0x24: {  	s3 =	sadd.s32 $0x88, s3;
	s6 =	simm.s32 @!p1 $0x1082;
	[sflag:s4] =	ssyncset.s32 $0xFFFFF086  }
0x25: {  	[simem:s6], [sflag:s4] =	dma.local [hbm:s3], $0xF7A  }
0x26: {  	[smem:$0x3F99] =	sst s1;
	(tag) =	ssettag s2;
	_ =	strace s9  }
0x27: {  	s1 =	sld [smem:$0x3FA9]  }
0x28: {  	s2 =	sld [smem:$0x3FAA]  }
0x29: {  	s4 =	sld [smem:$0x3FAC]  }
0x2a: {  	p0 =	seq.s32 s5, $0x0;
	s5 =	sld [smem:$0x3FAD]  }
0x2b: {  	s6 =	sld [smem:$0x3FAE]  }
0x2c: {  	s7 =	sld [smem:$0x3FAF]  }
0x2d: {  	s3 =	simm.s32 $0x108;
	s8 =	sld [smem:$0x3FB0]  }
0x2e: {  	s3 =	simm.s32 @!p0 $0x1082;
	s9 =	sld [smem:$0x3FB1]  }
0x2f: {  	lr =	sadd.s32 s0, s3;
	s0 =	sld [smem:$0x3FA8]  }
0x30: {  	s3 =	sld [smem:$0x3FAB]  }
0x31: {  	[smem:$0x3FB4] =	sst s10  }
0x32: {  	s10 =	sld [smem:$0x3FB2];
	_ =	sdelay $0x3  }
0x33: {  	p0 =	seq.s32 s10, $0x1;
	s10 =	sld [smem:$0x3FB4];
	_ =	sdelay $0x3  }
0x34: {  	[smem:$0x3FB4] =	sst s10  }
0x35: {  	s10 =	sld [smem:$0x3FB3];
	_ =	sdelay $0x3  }
0x36: {  	p1 =	seq.s32 s10, $0x1;
	s10 =	sld [smem:$0x3FB4];
	_ =	sdelay $0x3  }
0x37: {  	[smem:$0x3FB4] =	sst s10  }
0x38: {  	s10 =	sld [smem:$0x3FB5]  }
0x39: {  	_ = 	snop;
	(pc) =	sbr.ind lr, $3  }
0x3a: {  	_ = 	snop  }
0x3b: {  	_ = 	snop  }
0x3c: {  	p2 =	seq.s32 s10, $0x1;
	s10 =	sld [smem:$0x3FB4]  }
0x3d: {  	_ =	shalt  }
0x3e: {  	_ =	shalt  }
0x3f: {  	_ =	shalt  }
0x40: {  	_ =	shalt  }
0x41: {  	_ =	shalt  }
0x42: {  	_ =	shalt  }
0x43: {  	_ =	shalt  }
0x44: {  	_ =	shalt  }
0x45: {  	_ =	shalt  }
0x46: {  	_ =	shalt  }
0x47: {  	_ =	shalt  }
0x48: {  	_ =	shalt  }
0x49: {  	_ =	shalt  }
0x4a: {  	_ =	shalt  }
0x4b: {  	_ =	shalt  }
0x4c: {  	_ =	shalt  }
0x4d: {  	_ =	shalt  }
0x4e: {  	_ =	shalt  }
0x4f: {  	_ =	shalt  }
0x50: {  	_ =	shalt  }
0x51: {  	_ =	shalt  }
0x52: {  	_ =	shalt  }
0x53: {  	_ =	shalt  }
0x54: {  	_ =	shalt  }
0x55: {  	_ =	shalt  }
0x56: {  	_ =	shalt  }
0x57: {  	_ =	shalt  }
0x58: {  	_ =	shalt  }
0x59: {  	_ =	shalt  }
0x5a: {  	_ =	shalt  }
0x5b: {  	_ =	shalt  }
0x5c: {  	_ =	shalt  }
0x5d: {  	_ =	shalt  }
0x5e: {  	_ =	shalt  }
0x5f: {  	_ =	shalt  }
0x60: {  	_ =	shalt  }
0x61: {  	_ =	shalt  }
0x62: {  	_ =	shalt  }
0x63: {  	_ =	shalt  }
0x64: {  	_ =	shalt  }
0x65: {  	_ =	shalt  }
0x66: {  	_ =	shalt  }
0x67: {  	_ =	shalt  }
0x68: {  	_ =	shalt  }
0x69: {  	_ =	shalt  }
0x6a: {  	_ =	shalt  }
0x6b: {  	_ =	shalt  }
0x6c: {  	_ =	shalt  }
0x6d: {  	_ =	shalt  }
0x6e: {  	_ =	shalt  }
0x6f: {  	_ =	shalt  }
0x70: {  	_ =	shalt  }
0x71: {  	_ =	shalt  }
0x72: {  	_ =	shalt  }
0x73: {  	_ =	shalt  }
0x74: {  	_ =	shalt  }
0x75: {  	_ =	shalt  }
0x76: {  	_ =	shalt  }
0x77: {  	_ =	shalt  }
0x78: {  	_ =	shalt  }
0x79: {  	_ =	shalt  }
0x7a: {  	_ =	shalt  }
0x7b: {  	_ =	shalt  }
0x7c: {  	_ =	shalt  }
0x7d: {  	_ =	shalt  }
0x7e: {  	_ =	shalt  }
0x7f: {  	_ =	shalt  }
0x80: {  	_ =	shalt  }
0x81: {  	_ =	shalt  }
0x82: {  	_ =	shalt  }
0x83: {  	_ =	shalt  }
0x84: {  	_ =	shalt  }
0x85: {  	_ =	shalt  }
0x86: {  	_ =	shalt  }
0x87: {  	_ =	shalt  }
.Lfunc_end0:
.L_simem_size_0:
called_computation_lowered:
.L_overlay_start_0:
0x88: {  	s2 =	sld [smem:$0x3FD9]  }
0x89: {  	s3 =	sld [smem:$0x3FFE];
	_ =	sdelay $0x1  }
0x8a: {  	s1 =	srdreg.scid  }
0x8b: {  	s0 =	sand.u32 $0x1, s1  }
0x8c: {  	s17 =	sshll.u32 s0, $0xA;
	s2 =	sadd.s32 s3, s2  }
0x8d: {  	s2 =	sadd.s32 s2, s17  }
0x8e: {  	[smem:$0x3FC0] =	sst s2  }
0x8f: {  	_ = 	snop  }
0x90: {  	s2 =	sld [smem:$0x3FD0];
	(tm) =	ssettm $0x1  }
0x91: {  	s18 =	sld [smem:$0x3FFB];
	_ =	sdelay $0x3  }
0x92: {  	_ =	strace s18  }
0x93: {  	s3 =	sld [smem:$0x3FFC];
	_ =	sdelay $0x3  }
0x94: {  	_ =	strace s3  }
0x95: {  	s3 =	sld [smem:$0x3FFD];
	_ =	sdelay $0x3  }
0x96: {  	_ =	strace s3  }
0x97: {  	_ =	strace $0x8FFFFFFF  }
0x98: {  	s19 =	sld [smem:$0x3FDB];
	_ =	sdelay $0x1  }
0x99: {  	s4 =	simm.s32 $_scs_section_size  }
0x9a: {  	s5 =	simm.s32 $_size__tile_overlayer_lowered;
	s6 =	simm.s32 $_tile_overlayer_lowered  }
0x9b: {  	s22 =	simm.s32 $0x1BFF;
	s21 =	sshll.u32 s6, $0x1;
	s3 =	sadd.s32 s4, s19  }
0x9c: {  	s7 =	simm.s32 $0x0;
	s20 =	sshll.u32 s5, $0x1;
	s5 =	sadd.s32 s21, s3  }
0x9d: {  	[timem:s7], [sflag:s22] =	dma.local [hbm:s5], s20  }
0x9e: {  	_ =	swait.ge [sflag:s22], s20  }
0x9f: {  	s4 =	ssub.s32 $0x0, s20;
	[sflag:s22] =	ssyncset.done $0x0  }
0xa0: {  	[sflag:s22] =	ssyncadd.s32 s4;
	_ =	sdelay $0x1  }
0xa1: {  	s23 =	simm.s32 $0x1B8B  }
0xa2: {  	_ =	swait.ge [sflag:s23], $0x1  }
0xa3: {  	[sflag:s23] =	ssyncset.done $0x0  }
0xa4: {  	s25 =	simm.s32 $0x1B8E;
	s24 =	sld [smem:$0x3FFE];
	[sflag:s23] =	ssyncadd.s32 $0xFFFFFFFF  }
0xa5: {  	s26 =	simm.s32 $execute0_lowered;
	[smem:$0x3FD2] =	sst s25  }
0xa6: {  	s5 =	sshll.u32 s26, $0x1;
	_ =	strace $0x80000046;
	[dreg:$0x1] =	wrdreg $0xFFFFFFFF  }
0xa7: {  	s28 =	simm.s32 $_size_execute0_lowered;
	s3 =	sadd.s32 s3, s5;
	[dreg:$0x0] =	wrdreg $0x0  }
0xa8: {  	s5 =	sshll.u32 s28, $0x1;
	[dreg:$0x2] =	wrdreg s3  }
0xa9: {  	[dreg:$0x3] =	wrdreg s5  }
0xaa: {  	[dreg:$0x4] =	wrdreg $0xC0  }
0xab: {  	_ =	task [dreg:s7], $0x5FFFF  }
0xac: {  	[dreg:$0x1] =	wrdreg $0xFFFFFFFF  }
0xad: {  	[dreg:$0x0] =	wrdreg $0x60  }
0xae: {  	[dreg:$0x2] =	wrdreg s24  }
0xaf: {  	[dreg:$0x3] =	wrdreg s2  }
0xb0: {  	[dreg:$0x4] =	wrdreg $0x5500  }
0xb1: {  	[dreg:$0x5] =	wrdreg $0x9  }
0xb2: {  	_ =	task.clear_ibuf [dreg:s7], $0x6FFFF;
	_ =	strace $0x90000046  }
0xb3: {  	s29 =	simm.s32 $0x9;
	_ =	strace $0x80000048  }
0xb4: {  	_ =	swait.ge [sflag:s29], $0x1  }
0xb5: {  	[sflag:s29] =	ssyncadd.s32 $0xFFFFFFFF  }
0xb6: {  	_ =	strace $0x90000048  }
0xb7: {  	_ =	sfence  }
0xb8: {  	s30 =	sld [smem:$0x0];
	_ =	sdelay $0x2  }
0xb9: {  	s31 =	sshll.u32 s1, $0xD;
	s1 =	sshrl.u32 s1, $0x2  }
0xba: {  	s3 =	sand.u32 $0x4000, s31;
	s1 =	sadd.s32 s1, s30  }
0xbb: {  	s0 =	sor.u32 s3, s0;
	s1 =	sshll.u32 s1, $0x11  }
0xbc: {  	s0 =	sor.u32 s1, s0  }
0xbd: {  	s0 =	sadd.s32 $0x8F2B, s0  }
0xbe: {  	[sflag:s0] =	ssyncadd.remote.s32 $0x1  }
0xbf: {  	_ =	sfence.sel $0xFFFF  }
0xc0: {  	[dreg:$0x0] =	wrdreg $0xFFFFFFFF;
	(pc) =	sbr.abs _section_cstart, $3  }
0xc1: {  	[dreg:$0x1] =	wrdreg $0xFFFFFFFF  }
0xc2: {  	_ =	task.clear_ibuf [dreg:s7], $0x2FFFF;
	_ =	strace $0x9FFFFFFF  }
0xc3: {  	(tm) =	ssettm $0x7FFFFFFF  }
tec
execute0_lowered:
.L_overlay_start_1:
0x0: {  	(tag) =	ssettag $0x1  }
0x1: {  	s4 =	rddreg [dreg:$0x0]  }
0x2: {  	s6 =	rddreg [dreg:$0x1];
	s0 =	srdreg.scid  }
0x3: {  	s2 =	rddreg [dreg:$0x2];
	s1 =	stileid.u32  }
0x4: {  	s3 =	simm.s32 $0x0;
	s12 =	simm.s32 $0x0;
	s8 =	smul.u32 $0x2710, s1  }
0x5: {  	s5 =	sand.u32 $0x1, s0;
	s0 =	rddreg [dreg:$0x3];
	s25 =	smul.u32 $0x2800, s1  }
0x6: {  	[smem:$0x7FF] =	sst s3;
	s30 =	sshll.u32 s1, $0x6;
	s7 =	smul.u32 $0x27100, s5  }
0x7: {  	_ =	strace $0x80000047;
	s9 =	ssub.s32 $0x2, s5;
	s5 =	smul.u32 $0x28000, s5  }
0x8: {  	s26 =	sshrl.u32 s25, $0x3;
	s11 =	sshrl.u32 s9, $0x1;
	s29 =	sadd.s32 s25, s2  }
0x9: {  	s7 =	sadd.s32 s8, s7;
	s28 =	ssub.s32 s9, s11;
	s5 =	sadd.s32 s25, s5  }
0xa: {  	s9 =	sshrl.u32 s29, $0x3;
	s11 =	simm.s32 $0x50;
	s7 =	sshrl.u32 s7, $0x3  }
0xb: {  	s31 =	sshrl.u32 s5, $0x3;
	s5 =	sor.u32 $0x1C01, s30;
	s10 =	sadd.s32 s7, s4  }
0xc: {  	s4 =	sadd.s32 s26, s4;
	s6 =	sadd.s32 s6, s31;
	s7 =	smax.u32 s28, $0x1  }
0xd: {  	v0 =	vimm.f32 $1.000000000e+00;
	s4 =	sadd.s32 $0x15600, s4;
	s8 =	sadd.s32 $0xB800, s10;
	s10 =	simm.s32 $0x1  }
.LBB2_1:
0xe: {  	[spmem:s9], [sflag:s5] =	dma.local [hbm:s4], $0x500  }
0xf: {  	_ =	swait.ge [sflag:s10], $0x500  }
0x10: {  	[sflag:s10] =	ssyncset.done $0x0  }
0x11: {  	[sflag:s10] =	ssyncadd.s32 $0xFFFFFB00  }
0x12: {  	[tilespmem:$0x50] =	vst v0  }
0x13: {  	[tilespmem:$0x60] =	vst v0  }
0x14: {  	[tilespmem:$0x70] =	vst v0  }
0x15: {  	[tilespmem:$0x80] =	vst v0  }
0x16: {  	[tilespmem:$0x90] =	vst v0  }
0x17: {  	[tilespmem:$0xA0] =	vst v0  }
0x18: {  	[tilespmem:$0xB0] =	vst v0  }
0x19: {  	[tilespmem:$0xC0] =	vst v0  }
0x1a: {  	[tilespmem:$0xD0] =	vst v0  }
0x1b: {  	[tilespmem:$0xE0] =	vst v0  }
0x1c: {  	[tilespmem:$0xF0] =	vst v0  }
0x1d: {  	[tilespmem:$0x100] =	vst v0  }
0x1e: {  	[tilespmem:$0x110] =	vst v0  }
0x1f: {  	[tilespmem:$0x120] =	vst v0  }
0x20: {  	[tilespmem:$0x130] =	vst v0  }
0x21: {  	[tilespmem:$0x140] =	vst v0  }
0x22: {  	[tilespmem:$0x150] =	vst v0  }
0x23: {  	[tilespmem:$0x160] =	vst v0  }
0x24: {  	[tilespmem:$0x170] =	vst v0  }
0x25: {  	[tilespmem:$0x180] =	vst v0  }
0x26: {  	[tilespmem:$0x190] =	vst v0  }
0x27: {  	[tilespmem:$0x1A0] =	vst v0  }
0x28: {  	[tilespmem:$0x1B0] =	vst v0  }
0x29: {  	[tilespmem:$0x1C0] =	vst v0  }
0x2a: {  	[tilespmem:$0x1D0] =	vst v0  }
0x2b: {  	[tilespmem:$0x1E0] =	vst v0  }
0x2c: {  	[tilespmem:$0x1F0] =	vst v0  }
0x2d: {  	[tilespmem:$0x200] =	vst v0  }
0x2e: {  	[tilespmem:$0x210] =	vst v0  }
0x2f: {  	[tilespmem:$0x220] =	vst v0  }
0x30: {  	[tilespmem:$0x230] =	vst v0  }
0x31: {  	[tilespmem:$0x240] =	vst v0  }
0x32: {  	[tilespmem:$0x250] =	vst v0  }
0x33: {  	[tilespmem:$0x260] =	vst v0  }
0x34: {  	[tilespmem:$0x270] =	vst v0  }
0x35: {  	[tilespmem:$0x280] =	vst v0  }
0x36: {  	[tilespmem:$0x290] =	vst v0  }
0x37: {  	[tilespmem:$0x2A0] =	vst v0  }
0x38: {  	[tilespmem:$0x2B0] =	vst v0  }
0x39: {  	[tilespmem:$0x2C0] =	vst v0  }
0x3a: {  	[tilespmem:$0x2D0] =	vst v0  }
0x3b: {  	[tilespmem:$0x2E0] =	vst v0  }
0x3c: {  	[tilespmem:$0x2F0] =	vst v0  }
0x3d: {  	[tilespmem:$0x300] =	vst v0  }
0x3e: {  	[tilespmem:$0x310] =	vst v0  }
0x3f: {  	[tilespmem:$0x320] =	vst v0  }
0x40: {  	[tilespmem:$0x330] =	vst v0  }
0x41: {  	[tilespmem:$0x340] =	vst v0  }
0x42: {  	[tilespmem:$0x350] =	vst v0  }
0x43: {  	[tilespmem:$0x360] =	vst v0  }
0x44: {  	[tilespmem:$0x370] =	vst v0  }
0x45: {  	[tilespmem:$0x380] =	vst v0  }
0x46: {  	[tilespmem:$0x390] =	vst v0  }
0x47: {  	[tilespmem:$0x3A0] =	vst v0  }
0x48: {  	[tilespmem:$0x3B0] =	vst v0  }
0x49: {  	[tilespmem:$0x3C0] =	vst v0  }
0x4a: {  	[tilespmem:$0x3D0] =	vst v0  }
0x4b: {  	[tilespmem:$0x3E0] =	vst v0  }
0x4c: {  	[tilespmem:$0x3F0] =	vst v0  }
0x4d: {  	[tilespmem:$0x400] =	vst v0  }
0x4e: {  	[tilespmem:$0x410] =	vst v0  }
0x4f: {  	[tilespmem:$0x420] =	vst v0  }
0x50: {  	[tilespmem:$0x430] =	vst v0  }
0x51: {  	[tilespmem:$0x440] =	vst v0  }
0x52: {  	[tilespmem:$0x450] =	vst v0  }
0x53: {  	[tilespmem:$0x460] =	vst v0  }
0x54: {  	[tilespmem:$0x470] =	vst v0  }
0x55: {  	[tilespmem:$0x480] =	vst v0  }
0x56: {  	[tilespmem:$0x490] =	vst v0  }
0x57: {  	[tilespmem:$0x4A0] =	vst v0  }
0x58: {  	[tilespmem:$0x4B0] =	vst v0  }
0x59: {  	[tilespmem:$0x4C0] =	vst v0  }
0x5a: {  	[tilespmem:$0x4D0] =	vst v0  }
0x5b: {  	[tilespmem:$0x4E0] =	vst v0  }
0x5c: {  	[tilespmem:$0x4F0] =	vst v0  }
0x5d: {  	[tilespmem:$0x500] =	vst v0  }
0x5e: {  	[tilespmem:$0x510] =	vst v0  }
0x5f: {  	[tilespmem:$0x520] =	vst v0  }
0x60: {  	[tilespmem:$0x530] =	vst v0  }
0x61: {  	[tilespmem:$0x540] =	vst v0  }
0x62: {  	s13 =	sadd.s32 $0x0, s8;
	[bflag:$0x0] =	sbarrier.arrive $0xFFFF  }
0x63: {  	[tilespmem:s3], [sflag:$0x1] =	stream.linear.gather [hbm4b:s13+s3], $0x50, $0x38;
	[tilespmem:$0x2D50] =	vst v63  }
0x64: {  	_ =	swait.ge [sflag:s10], $0x50  }
0x65: {  	[sflag:s10] =	ssyncset.done $0x0  }
0x66: {  	[sflag:s10] =	ssyncadd.s32 $0xFFFFFFB0  }
0x67: {  	[spmem:s2] =	stream.indirect.scatter.add.f32 [tilespmem:s11], [sflag:$0x1], $0x10, s3, s11, $0xb8;
	[tilespmem:$0x2D50] =	vst v63  }
0x68: {  	_ =	swait.ge [sflag:s10], $0x500  }
0x69: {  	s14 =	simm.s32 $0x14;
	s13 =	simm.s32 $0xA;
	[sflag:s10] =	ssyncset.done $0x0  }
.LBB2_2:
0x6a: {  	s15 =	sadd.s32 s13, s8  }
0x6b: {  	[sflag:s10] =	ssyncadd.s32 $0xFFFFFB00;
	s13 =	smov.u32 s14;
	s16 =	sadd.s32 $0xA, s14  }
0x6c: {  	[tilespmem:s3], [sflag:$0x1] =	stream.linear.gather [hbm4b:s15+s3], $0x50, $0x38;
	[tilespmem:$0x2D50] =	vst v63  }
0x6d: {  	p0 =	sne.s32 s14, $0x4D8;
	_ =	swait.ge [sflag:s10], $0x50  }
.Ltmp0:
0x6e: {  	[sflag:s10] =	ssyncset.done $0x0;
	(pc) =	sbr.rel @p0 .LBB2_2-.Ltmp0, $4  }
0x6f: {  	[sflag:s10] =	ssyncadd.s32 $0xFFFFFFB0  }
0x70: {  	[spmem:s2] =	stream.indirect.scatter.add.f32 [tilespmem:s11], [sflag:$0x1], $0x10, s3, s11, $0xb8;
	[tilespmem:$0x2D50] =	vst v63  }
0x71: {  	_ =	swait.ge [sflag:s10], $0x500  }
0x72: {  	s14 =	smov.u32 s16;
	[sflag:s10] =	ssyncset.done $0x0  }
0x73: {  	s13 =	sadd.s32 s13, s8;
	[sflag:s10] =	ssyncadd.s32 $0xFFFFFB00  }
0x74: {  	[tilespmem:s3], [sflag:$0x1] =	stream.linear.gather [hbm4b:s13+s3], $0x50, $0x38;
	[tilespmem:$0x2D50] =	vst v63  }
0x75: {  	_ =	swait.ge [sflag:s10], $0x50  }
0x76: {  	[sflag:s10] =	ssyncset.done $0x0  }
0x77: {  	[sflag:s10] =	ssyncadd.s32 $0xFFFFFFB0  }
0x78: {  	[spmem:s2] =	stream.indirect.scatter.add.f32 [tilespmem:s11], [sflag:$0x1], $0x10, s3, s11, $0xb8;
	[tilespmem:$0x2D50] =	vst v63  }
0x79: {  	_ =	swait.ge [sflag:s10], $0x500  }
0x7a: {  	s12 =	sadd.s32 $0x1, s12;
	[sflag:s10] =	ssyncset.done $0x0  }
0x7b: {  	p0 =	sne.s32 s12, s7;
	[sflag:s10] =	ssyncadd.s32 $0xFFFFFB00  }
.Ltmp1:
0x7c: {  	[bflag:$0x0] =	sbarrier.arrive $0xFFFF;
	(pc) =	sbr.rel @p0 .LBB2_1-.Ltmp1, $4  }
0x7d: {  	[hbm:s6], [sflag:s5] =	dma.local [spmem:s9], $0x500  }
0x7e: {  	_ =	swait.ge [sflag:s10], $0x500  }
0x7f: {  	[sflag:s10] =	ssyncset.done $0x0  }
0x80: {  	[sflag:s10] =	ssyncadd.s32 $0xFFFFFB00  }
0x81: {  	_ =	sfence.sel $0x180000  }
0x82: {  	[bflag:$0x0] =	sbarrier.arrive $0xFFFF  }
0x83: {  	p0 =	sne.s32 s1, $0x0;
	_ =	strace $0x90000047  }
0x84: {  	s0 =	sadd.s32 @!p0 $0x100000, s0;
	[bflag:$0x2] =	sbarrier.arrive $0xFFFF  }
0x85: {  	[sflag:s0] =	ssyncadd.tile.s32 @!p0 $0x1;
	_ =	shalt  }
.Lfunc_end2:
_tile_overlayer_lowered:
.L_overlay_start_2:
0x86: {  	(tag) =	ssettag $0x2  }
0x87: {  	s0 =	rddreg [dreg:$0x0];
	s2 =	stileid.u32  }
0x88: {  	s1 =	rddreg [dreg:$0x1];
	p0 =	sne.s32 s2, $0x0  }
0x89: {  	s3 =	rddreg [dreg:$0x2];
	[bflag:$0x3] =	sbarrier.arrive $0xFFFF;
	s2 =	simm.s32 @!p0 $0x1C01  }
0x8a: {  	[timem:s3], [sflag:s2] =	dma.local @!p0 [hbm:s0], s1  }
0x8b: {  	s0 =	simm.s32 @!p0 $0x1  }
0x8c: {  	_ =	swait.ge @!p0 [sflag:s0], s1  }
0x8d: {  	s1 =	ssub.s32 @!p0 $0x0, s1;
	[sflag:s0] =	ssyncset.done @!p0 $0x0  }
0x8e: {  	[sflag:s0] =	ssyncadd.s32 @!p0 s1  }
0x8f: {  	[bflag:$0x3] =	sbarrier.arrive $0xFFFF  }
0x90: {  	_ =	shalt  }

</sc_bundles>
